<compile_context>
chip_gen: v7x
topology: tpu7x:2x2x1
jax: 0.10.2.dev20260603
libtpu: 0.0.44.dev20260713+nightly
codegen_flags: <defaults>
</compile_context>

<pallas_src>
import functools

import jax
import jax.numpy as jnp
from jax import lax
from jax.experimental import pallas as pl
from jax.experimental.pallas import tpu as pltpu
from jax.experimental.pallas import tpu_sc as plsc

VOCAB = 100000
BATCH = 32
Q_LEN = 8
BB = 2


def _fill_body(ls_ref, ls_sq_ref, out_ref, base_ref, peaks_ref):
    i = pl.program_id(0)
    alpha = jax.nn.sigmoid(ls_ref[pl.ds(i * BB, BB), :])
    base = (1.0 - alpha) * jnp.float32(1.0 / VOCAB)
    log_base = jnp.maximum(jnp.log(base), jnp.float32(-1e6))
    out_ref[...] = jnp.broadcast_to(log_base[..., None], (BB, Q_LEN, VOCAB))

    @pl.when(i == 0)
    def _():
        a = jax.nn.sigmoid(ls_sq_ref[...])
        b = (1.0 - a) * jnp.float32(1.0 / VOCAB)
        base_ref[...] = jnp.maximum(jnp.log(b), jnp.float32(-1e6))
        peaks_ref[...] = jnp.maximum(jnp.log(b + a), jnp.float32(-1e6))


def _sc_scatter(base_hbm, peaks_hbm, ids_hbm, out_ref, base_v, peaks_v, ids_v, tmp, sem):
    s = lax.axis_index("s")
    d1 = pltpu.async_copy(base_hbm.at[s], base_v, sem)
    d2 = pltpu.async_copy(peaks_hbm.at[s], peaks_v, sem)
    d3 = pltpu.async_copy(ids_hbm.at[s], ids_v, sem)
    d1.wait()
    d2.wait()
    d3.wait()
    base_vec = base_v[...]
    peaks_vec = peaks_v[...]
    ids_vec = ids_v[...]
    lanes = lax.broadcasted_iota(jnp.int32, (16,), 0)
    descs = []
    for q in range(16):
        p = ids_vec[q]
        a16 = (p // 16) * 16
        vec = jnp.where(lanes == p - a16, peaks_vec[q], base_vec[q])
        tmp[pl.ds(q * 16, 16)] = vec
        descs.append(
            pltpu.async_copy(
                tmp.at[pl.ds(q * 16, 16)],
                out_ref.at[s * 2 + q // 8, q % 8, pl.ds(a16, 16)],
                sem,
            )
        )
    for d in descs:
        d.wait()


@jax.jit
def kernel(log_snr, input_ids):
    filled, base_rows, peak_rows = pl.pallas_call(
        _fill_body,
        grid=(BATCH // BB,),
        in_specs=[
            pl.BlockSpec((BATCH, Q_LEN), lambda i: (0, 0)),
            pl.BlockSpec((16, 16), lambda i: (0, 0)),
        ],
        out_specs=[
            pl.BlockSpec((BB, Q_LEN, VOCAB), lambda i: (i, 0, 0)),
            pl.BlockSpec((16, 16), lambda i: (0, 0)),
            pl.BlockSpec((16, 16), lambda i: (0, 0)),
        ],
        out_shape=[
            jax.ShapeDtypeStruct((BATCH, Q_LEN, VOCAB), jnp.float32),
            jax.ShapeDtypeStruct((16, 16), jnp.float32),
            jax.ShapeDtypeStruct((16, 16), jnp.float32),
        ],
    )(log_snr, log_snr.reshape(16, 16))

    out_ref = jax.new_ref(filled)
    mesh = plsc.VectorSubcoreMesh(core_axis_name="c", subcore_axis_name="s", num_cores=1)
    scatter = functools.partial(
        pl.kernel,
        mesh=mesh,
        scratch_types=[
            pltpu.VMEM((16,), jnp.float32),
            pltpu.VMEM((16,), jnp.float32),
            pltpu.VMEM((16,), jnp.int32),
            pltpu.VMEM((16 * 16,), jnp.float32),
            pltpu.SemaphoreType.DMA,
        ],
    )(_sc_scatter)
    scatter(base_rows, peak_rows, input_ids.astype(jnp.int32).reshape(16, 16), out_ref)
    return jax.freeze(out_ref)

# --- scband reference (transcript-rebuilt; emitter-appended) ---
"""Pipeline reference for scband-mixing-schedule-14680198218050 (READ-ONLY COPY).

The authoritative reference and input builder live on the scoring server;
editing this copy changes nothing except your own understanding.
"""

import jax, jax.numpy as jnp
import numpy as np

VOCAB = 100000
BATCH = 32
Q_LEN = 8


def setup_inputs(seed: int = 0) -> dict:
    key = jax.random.key(seed)
    k1, k2 = jax.random.split(key)
    log_snr = jax.random.normal(k1, (BATCH, Q_LEN), dtype=jnp.float32)
    input_ids = jax.random.randint(k2, (BATCH, Q_LEN), 0, VOCAB)
    return {"log_snr": log_snr, "input_ids": input_ids}


def reference(log_snr, input_ids):
    # MixingSchedule.marginal_log_probs_from_ids with a UNIFORM prior
    # MixingDistribution and a sigmoid (linear-alpha) MixingRate.
    # alpha = sigmoid(log_snr)  (MixingRate.alpha_from_log_snr)
    alpha = jax.nn.sigmoid(log_snr)
    # pi_lambda_from_ids for UNIFORM prior: uniform distribution over vocab,
    # independent of log_snr and of the one-hot probs.
    pi = jnp.full(log_snr.shape + (VOCAB,), 1.0 / VOCAB, dtype=log_snr.dtype)
    # marginal_probs_from_ids:
    #   probs = (1 - alpha)[..., None] * pi_lambda_from_ids(log_snr, input_ids)
    #   probs = probs.at[*jnp.indices(input_ids.shape), input_ids].add(alpha)
    probs = (1.0 - alpha[..., None]) * pi
    idx = jnp.indices(input_ids.shape)
    probs = probs.at[idx[0], idx[1], input_ids].add(alpha)
    # marginal_log_probs_from_ids: log then clip at -1e6
    return jnp.clip(jnp.log(probs), -1000000.0)

if __name__ == "__main__":
    import jax
    _d = setup_inputs()
    print(jax.jit(kernel)(*tuple(_d.values())))

</pallas_src>

<mosaic_0001>
#map = affine_map<(d0, d1) -> (0, 0)>
#map1 = affine_map<(d0, d1) -> (0, 0, 0)>
module attributes {stable_mosaic.version = 14 : i64} {
  func.func @new_body(%arg0: i32, %arg1: i32, %arg2: memref<16x16xf32, #tpu.memory_space<hbm>>, %arg3: memref<16x16xf32, #tpu.memory_space<hbm>>, %arg4: memref<16x16xi32, #tpu.memory_space<hbm>>, %arg5: memref<32x8x100000xf32, #tpu.memory_space<hbm>>, %arg6: memref<32x8x100000xf32, #tpu.memory_space<hbm>>, %arg7: memref<16xf32, #tpu.memory_space<vmem>>, %arg8: memref<16xf32, #tpu.memory_space<vmem>>, %arg9: memref<16xi32, #tpu.memory_space<vmem>>, %arg10: memref<256xf32, #tpu.memory_space<vmem>>, %arg11: memref<!tpu.dma_semaphore, #tpu.memory_space<semaphore_mem>>) attributes {dimension_semantics = [#tpu.dimension_semantics<core_parallel>, #tpu.dimension_semantics<subcore_parallel>], iteration_bounds = array<i64: 1, 16>, scalar_prefetch = 0 : i64, scratch_operands = 5 : i64, tpu.core_type = #tpu.core_type<sc_vector_subcore>, window_params = [{transform_indices = #map}, {transform_indices = #map}, {transform_indices = #map}, {transform_indices = #map1}, {transform_indices = #map1}]} {
    %dma_start3A = arith.constant 0 : i32
    %dma_start3A_0 = tpu.memref_slice %arg2[%arg1, %dma_start3A] : memref<16x16xf32, #tpu.memory_space<hbm>> -> memref<1x16xf32, #tpu.memory_space<hbm>>
    %dma_start3A_1 = tpu.memref_squeeze %dma_start3A_0 : memref<1x16xf32, #tpu.memory_space<hbm>> -> memref<16xf32, #tpu.memory_space<hbm>>
    %dma_start3A_2 = arith.constant 0 : i32
    %dma_start3A_3 = tpu.memref_slice %arg2[%arg1, %dma_start3A_2] : memref<16x16xf32, #tpu.memory_space<hbm>> -> memref<1x16xf32, #tpu.memory_space<hbm>>
    %dma_start3A_4 = tpu.memref_squeeze %dma_start3A_3 : memref<1x16xf32, #tpu.memory_space<hbm>> -> memref<16xf32, #tpu.memory_space<hbm>>
    tpu.enqueue_dma source(%dma_start3A_4 : memref<16xf32, #tpu.memory_space<hbm>>) target(%arg7 : memref<16xf32, #tpu.memory_space<vmem>>) target_semaphore(%arg11 : memref<!tpu.dma_semaphore, #tpu.memory_space<semaphore_mem>>)
    %dma_start3A_5 = arith.constant 0 : i32
    %dma_start3A_6 = tpu.memref_slice %arg3[%arg1, %dma_start3A_5] : memref<16x16xf32, #tpu.memory_space<hbm>> -> memref<1x16xf32, #tpu.memory_space<hbm>>
    %dma_start3A_7 = tpu.memref_squeeze %dma_start3A_6 : memref<1x16xf32, #tpu.memory_space<hbm>> -> memref<16xf32, #tpu.memory_space<hbm>>
    %dma_start3A_8 = arith.constant 0 : i32
    %dma_start3A_9 = tpu.memref_slice %arg3[%arg1, %dma_start3A_8] : memref<16x16xf32, #tpu.memory_space<hbm>> -> memref<1x16xf32, #tpu.memory_space<hbm>>
    %dma_start3A_10 = tpu.memref_squeeze %dma_start3A_9 : memref<1x16xf32, #tpu.memory_space<hbm>> -> memref<16xf32, #tpu.memory_space<hbm>>
    tpu.enqueue_dma source(%dma_start3A_10 : memref<16xf32, #tpu.memory_space<hbm>>) target(%arg8 : memref<16xf32, #tpu.memory_space<vmem>>) target_semaphore(%arg11 : memref<!tpu.dma_semaphore, #tpu.memory_space<semaphore_mem>>)
    %dma_start3A_11 = arith.constant 0 : i32
    %dma_start3A_12 = tpu.memref_slice %arg4[%arg1, %dma_start3A_11] : memref<16x16xi32, #tpu.memory_space<hbm>> -> memref<1x16xi32, #tpu.memory_space<hbm>>
    %dma_start3A_13 = tpu.memref_squeeze %dma_start3A_12 : memref<1x16xi32, #tpu.memory_space<hbm>> -> memref<16xi32, #tpu.memory_space<hbm>>
    %dma_start3A_14 = arith.constant 0 : i32
    %dma_start3A_15 = tpu.memref_slice %arg4[%arg1, %dma_start3A_14] : memref<16x16xi32, #tpu.memory_space<hbm>> -> memref<1x16xi32, #tpu.memory_space<hbm>>
    %dma_start3A_16 = tpu.memref_squeeze %dma_start3A_15 : memref<1x16xi32, #tpu.memory_space<hbm>> -> memref<16xi32, #tpu.memory_space<hbm>>
    tpu.enqueue_dma source(%dma_start3A_16 : memref<16xi32, #tpu.memory_space<hbm>>) target(%arg9 : memref<16xi32, #tpu.memory_space<vmem>>) target_semaphore(%arg11 : memref<!tpu.dma_semaphore, #tpu.memory_space<semaphore_mem>>)
    %dma_wait3A = arith.constant 0 : i32
    %dma_wait3A_17 = tpu.memref_slice %arg2[%arg1, %dma_wait3A] : memref<16x16xf32, #tpu.memory_space<hbm>> -> memref<1x16xf32, #tpu.memory_space<hbm>>
    %dma_wait3A_18 = tpu.memref_squeeze %dma_wait3A_17 : memref<1x16xf32, #tpu.memory_space<hbm>> -> memref<16xf32, #tpu.memory_space<hbm>>
    %dma_wait3A_19 = arith.constant 0 : i32
    %dma_wait3A_20 = tpu.memref_slice %arg2[%arg1, %dma_wait3A_19] : memref<16x16xf32, #tpu.memory_space<hbm>> -> memref<1x16xf32, #tpu.memory_space<hbm>>
    %dma_wait3A_21 = tpu.memref_squeeze %dma_wait3A_20 : memref<1x16xf32, #tpu.memory_space<hbm>> -> memref<16xf32, #tpu.memory_space<hbm>>
    tpu.wait_dma2 semaphore(%arg11 : memref<!tpu.dma_semaphore, #tpu.memory_space<semaphore_mem>>) src(%dma_wait3A_21 : memref<16xf32, #tpu.memory_space<hbm>>) dst(%arg7 : memref<16xf32, #tpu.memory_space<vmem>>)
    %dma_wait3A_22 = arith.constant 0 : i32
    %dma_wait3A_23 = tpu.memref_slice %arg3[%arg1, %dma_wait3A_22] : memref<16x16xf32, #tpu.memory_space<hbm>> -> memref<1x16xf32, #tpu.memory_space<hbm>>
    %dma_wait3A_24 = tpu.memref_squeeze %dma_wait3A_23 : memref<1x16xf32, #tpu.memory_space<hbm>> -> memref<16xf32, #tpu.memory_space<hbm>>
    %dma_wait3A_25 = arith.constant 0 : i32
    %dma_wait3A_26 = tpu.memref_slice %arg3[%arg1, %dma_wait3A_25] : memref<16x16xf32, #tpu.memory_space<hbm>> -> memref<1x16xf32, #tpu.memory_space<hbm>>
    %dma_wait3A_27 = tpu.memref_squeeze %dma_wait3A_26 : memref<1x16xf32, #tpu.memory_space<hbm>> -> memref<16xf32, #tpu.memory_space<hbm>>
    tpu.wait_dma2 semaphore(%arg11 : memref<!tpu.dma_semaphore, #tpu.memory_space<semaphore_mem>>) src(%dma_wait3A_27 : memref<16xf32, #tpu.memory_space<hbm>>) dst(%arg8 : memref<16xf32, #tpu.memory_space<vmem>>)
    %dma_wait3A_28 = arith.constant 0 : i32
    %dma_wait3A_29 = tpu.memref_slice %arg4[%arg1, %dma_wait3A_28] : memref<16x16xi32, #tpu.memory_space<hbm>> -> memref<1x16xi32, #tpu.memory_space<hbm>>
    %dma_wait3A_30 = tpu.memref_squeeze %dma_wait3A_29 : memref<1x16xi32, #tpu.memory_space<hbm>> -> memref<16xi32, #tpu.memory_space<hbm>>
    %dma_wait3A_31 = arith.constant 0 : i32
    %dma_wait3A_32 = tpu.memref_slice %arg4[%arg1, %dma_wait3A_31] : memref<16x16xi32, #tpu.memory_space<hbm>> -> memref<1x16xi32, #tpu.memory_space<hbm>>
    %dma_wait3A_33 = tpu.memref_squeeze %dma_wait3A_32 : memref<1x16xi32, #tpu.memory_space<hbm>> -> memref<16xi32, #tpu.memory_space<hbm>>
    tpu.wait_dma2 semaphore(%arg11 : memref<!tpu.dma_semaphore, #tpu.memory_space<semaphore_mem>>) src(%dma_wait3A_33 : memref<16xi32, #tpu.memory_space<hbm>>) dst(%arg9 : memref<16xi32, #tpu.memory_space<vmem>>)
    %get3A = arith.constant 0 : index
    %get3A_34 = tpu.vector_load %arg7[%get3A] {strides = array<i32>} : memref<16xf32, #tpu.memory_space<vmem>>, vector<16xf32>,
    %get3A_35 = vector.shape_cast %get3A_34 : vector<16xf32> to vector<16xf32>
    %get3A_36 = arith.constant 0 : index
    %get3A_37 = tpu.vector_load %arg8[%get3A_36] {strides = array<i32>} : memref<16xf32, #tpu.memory_space<vmem>>, vector<16xf32>,
    %get3A_38 = vector.shape_cast %get3A_37 : vector<16xf32> to vector<16xf32>
    %get3A_39 = arith.constant 0 : index
    %get3A_40 = tpu.vector_load %arg9[%get3A_39] {strides = array<i32>} : memref<16xi32, #tpu.memory_space<vmem>>, vector<16xi32>,
    %get3A_41 = vector.shape_cast %get3A_40 : vector<16xi32> to vector<16xi32>
    %iota3A = tpu.iota {dimensions = array<i32: 0>} : vector<16xi32>
    %slice3A = vector.extract_strided_slice %get3A_41 {offsets = [0], sizes = [1], strides = [1]} : vector<16xi32> to vector<1xi32>
    %squeeze3A = vector.extract %slice3A[0] : i32 from vector<1xi32>
    %jit3A = arith.constant 16 : i32
    %div3A = arith.divsi %squeeze3A, %jit3A : i32
    %sign3A = arith.constant 0 : i32
    %sign3A_42 = arith.cmpi sgt, %squeeze3A, %sign3A : i32
    %sign3A_43 = arith.extui %sign3A_42 : i1 to i32
    %sign3A_44 = arith.constant 0 : i32
    %sign3A_45 = arith.cmpi slt, %squeeze3A, %sign3A_44 : i32
    %sign3A_46 = arith.extui %sign3A_45 : i1 to i32
    %sign3A_47 = arith.subi %sign3A_43, %sign3A_46 : i32
    %sign3A_48 = arith.constant 0 : i32
    %sign3A_49 = arith.cmpi sgt, %jit3A, %sign3A_48 : i32
    %sign3A_50 = arith.extui %sign3A_49 : i1 to i32
    %sign3A_51 = arith.constant 0 : i32
    %sign3A_52 = arith.cmpi slt, %jit3A, %sign3A_51 : i32
    %sign3A_53 = arith.extui %sign3A_52 : i1 to i32
    %sign3A_54 = arith.subi %sign3A_50, %sign3A_53 : i32
    %ne3A = arith.cmpi ne, %sign3A_47, %sign3A_54 : i32
    %rem3A = arith.remsi %squeeze3A, %jit3A : i32
    %ne3A_55 = arith.constant 0 : i32
    %ne3A_56 = arith.cmpi ne, %rem3A, %ne3A_55 : i32
    %and3A = arith.andi %ne3A, %ne3A_56 : i1
    %sub3A = arith.constant 1 : i32
    %sub3A_57 = arith.subi %div3A, %sub3A : i32
    %select_n3A = arith.select %and3A, %sub3A_57, %div3A : i32
    %mul3A = arith.constant 16 : i32
    %mul3A_58 = arith.muli %select_n3A, %mul3A : i32
    %sub3A_59 = arith.subi %squeeze3A, %mul3A_58 : i32
    %eq3A = vector.broadcast %sub3A_59 : i32 to vector<16xi32>
    %eq3A_60 = arith.cmpi eq, %iota3A, %eq3A : vector<16xi32>
    %slice3A_61 = vector.extract_strided_slice %get3A_38 {offsets = [0], sizes = [1], strides = [1]} : vector<16xf32> to vector<1xf32>
    %squeeze3A_62 = vector.extract %slice3A_61[0] : f32 from vector<1xf32>
    %slice3A_63 = vector.extract_strided_slice %get3A_35 {offsets = [0], sizes = [1], strides = [1]} : vector<16xf32> to vector<1xf32>
    %squeeze3A_64 = vector.extract %slice3A_63[0] : f32 from vector<1xf32>
    %broadcast_in_dim3A = vector.broadcast %squeeze3A_62 : f32 to vector<16xf32>
    %broadcast_in_dim3A_65 = vector.broadcast %squeeze3A_64 : f32 to vector<16xf32>
    %select_n3A_66 = arith.select %eq3A_60, %broadcast_in_dim3A, %broadcast_in_dim3A_65 : vector<16xi1>, vector<16xf32>
    %swap3A = arith.constant 0 : index
    %swap3A_67 = tpu.vector_load %arg10[%swap3A] {strides = array<i32>} : memref<256xf32, #tpu.memory_space<vmem>>, vector<16xf32>,
    %swap3A_68 = vector.shape_cast %swap3A_67 : vector<16xf32> to vector<16xf32>
    %swap3A_69 = vector.shape_cast %select_n3A_66 : vector<16xf32> to vector<16xf32>
    tpu.vector_store %arg10[%swap3A], %swap3A_69 {strides = array<i32>} : memref<256xf32, #tpu.memory_space<vmem>>, vector<16xf32>,
    %mul3A_70 = arith.constant 2 : i32
    %mul3A_71 = arith.muli %arg1, %mul3A_70 : i32
    %add3A = arith.constant 0 : i32
    %add3A_72 = arith.addi %mul3A_71, %add3A : i32
    %dma_start3A_73 = arith.constant 0 : i32
    %dma_start3A_74 = arith.constant 0 : i32
    %dma_start3A_75 = tpu.memref_slice %arg10[%dma_start3A_74] : memref<256xf32, #tpu.memory_space<vmem>> -> memref<16xf32, #tpu.memory_space<vmem>>
    %dma_start3A_76 = tpu.memref_slice %arg5[%add3A_72, %dma_start3A_73, %mul3A_58] : memref<32x8x100000xf32, #tpu.memory_space<hbm>> -> memref<1x1x16xf32, #tpu.memory_space<hbm>>
    %dma_start3A_77 = tpu.memref_squeeze %dma_start3A_76 : memref<1x1x16xf32, #tpu.memory_space<hbm>> -> memref<16xf32, #tpu.memory_space<hbm>>
    %dma_start3A_78 = tpu.memref_slice %arg5[%add3A_72, %dma_start3A_73, %mul3A_58] : memref<32x8x100000xf32, #tpu.memory_space<hbm>> -> memref<1x1x16xf32, #tpu.memory_space<hbm>>
    %dma_start3A_79 = tpu.memref_squeeze %dma_start3A_78 : memref<1x1x16xf32, #tpu.memory_space<hbm>> -> memref<16xf32, #tpu.memory_space<hbm>>
    %dma_start3A_80 = arith.constant 0 : i32
    %dma_start3A_81 = tpu.memref_slice %arg10[%dma_start3A_80] : memref<256xf32, #tpu.memory_space<vmem>> -> memref<16xf32, #tpu.memory_space<vmem>>
    tpu.enqueue_dma source(%dma_start3A_81 : memref<16xf32, #tpu.memory_space<vmem>>) target(%dma_start3A_79 : memref<16xf32, #tpu.memory_space<hbm>>) target_semaphore(%arg11 : memref<!tpu.dma_semaphore, #tpu.memory_space<semaphore_mem>>)
    %slice3A_82 = vector.extract_strided_slice %get3A_41 {offsets = [1], sizes = [1], strides = [1]} : vector<16xi32> to vector<1xi32>
    %squeeze3A_83 = vector.extract %slice3A_82[0] : i32 from vector<1xi32>
    %jit3A_84 = arith.constant 16 : i32
    %div3A_85 = arith.divsi %squeeze3A_83, %jit3A_84 : i32
    %sign3A_86 = arith.constant 0 : i32
    %sign3A_87 = arith.cmpi sgt, %squeeze3A_83, %sign3A_86 : i32
    %sign3A_88 = arith.extui %sign3A_87 : i1 to i32
    %sign3A_89 = arith.constant 0 : i32
    %sign3A_90 = arith.cmpi slt, %squeeze3A_83, %sign3A_89 : i32
    %sign3A_91 = arith.extui %sign3A_90 : i1 to i32
    %sign3A_92 = arith.subi %sign3A_88, %sign3A_91 : i32
    %sign3A_93 = arith.constant 0 : i32
    %sign3A_94 = arith.cmpi sgt, %jit3A_84, %sign3A_93 : i32
    %sign3A_95 = arith.extui %sign3A_94 : i1 to i32
    %sign3A_96 = arith.constant 0 : i32
    %sign3A_97 = arith.cmpi slt, %jit3A_84, %sign3A_96 : i32
    %sign3A_98 = arith.extui %sign3A_97 : i1 to i32
    %sign3A_99 = arith.subi %sign3A_95, %sign3A_98 : i32
    %ne3A_100 = arith.cmpi ne, %sign3A_92, %sign3A_99 : i32
    %rem3A_101 = arith.remsi %squeeze3A_83, %jit3A_84 : i32
    %ne3A_102 = arith.constant 0 : i32
    %ne3A_103 = arith.cmpi ne, %rem3A_101, %ne3A_102 : i32
    %and3A_104 = arith.andi %ne3A_100, %ne3A_103 : i1
    %sub3A_105 = arith.constant 1 : i32
    %sub3A_106 = arith.subi %div3A_85, %sub3A_105 : i32
    %select_n3A_107 = arith.select %and3A_104, %sub3A_106, %div3A_85 : i32
    %mul3A_108 = arith.constant 16 : i32
    %mul3A_109 = arith.muli %select_n3A_107, %mul3A_108 : i32
    %sub3A_110 = arith.subi %squeeze3A_83, %mul3A_109 : i32
    %eq3A_111 = vector.broadcast %sub3A_110 : i32 to vector<16xi32>
    %eq3A_112 = arith.cmpi eq, %iota3A, %eq3A_111 : vector<16xi32>
    %slice3A_113 = vector.extract_strided_slice %get3A_38 {offsets = [1], sizes = [1], strides = [1]} : vector<16xf32> to vector<1xf32>
    %squeeze3A_114 = vector.extract %slice3A_113[0] : f32 from vector<1xf32>
    %slice3A_115 = vector.extract_strided_slice %get3A_35 {offsets = [1], sizes = [1], strides = [1]} : vector<16xf32> to vector<1xf32>
    %squeeze3A_116 = vector.extract %slice3A_115[0] : f32 from vector<1xf32>
    %broadcast_in_dim3A_117 = vector.broadcast %squeeze3A_114 : f32 to vector<16xf32>
    %broadcast_in_dim3A_118 = vector.broadcast %squeeze3A_116 : f32 to vector<16xf32>
    %select_n3A_119 = arith.select %eq3A_112, %broadcast_in_dim3A_117, %broadcast_in_dim3A_118 : vector<16xi1>, vector<16xf32>
    %swap3A_120 = arith.constant 16 : index
    %swap3A_121 = tpu.vector_load %arg10[%swap3A_120] {strides = array<i32>} : memref<256xf32, #tpu.memory_space<vmem>>, vector<16xf32>,
    %swap3A_122 = vector.shape_cast %swap3A_121 : vector<16xf32> to vector<16xf32>
    %swap3A_123 = vector.shape_cast %select_n3A_119 : vector<16xf32> to vector<16xf32>
    tpu.vector_store %arg10[%swap3A_120], %swap3A_123 {strides = array<i32>} : memref<256xf32, #tpu.memory_space<vmem>>, vector<16xf32>,
    %mul3A_124 = arith.constant 2 : i32
    %mul3A_125 = arith.muli %arg1, %mul3A_124 : i32
    %add3A_126 = arith.constant 0 : i32
    %add3A_127 = arith.addi %mul3A_125, %add3A_126 : i32
    %dma_start3A_128 = arith.constant 1 : i32
    %dma_start3A_129 = arith.constant 16 : i32
    %dma_start3A_130 = tpu.memref_slice %arg10[%dma_start3A_129] : memref<256xf32, #tpu.memory_space<vmem>> -> memref<16xf32, #tpu.memory_space<vmem>>
    %dma_start3A_131 = tpu.memref_slice %arg5[%add3A_127, %dma_start3A_128, %mul3A_109] : memref<32x8x100000xf32, #tpu.memory_space<hbm>> -> memref<1x1x16xf32, #tpu.memory_space<hbm>>
    %dma_start3A_132 = tpu.memref_squeeze %dma_start3A_131 : memref<1x1x16xf32, #tpu.memory_space<hbm>> -> memref<16xf32, #tpu.memory_space<hbm>>
    %dma_start3A_133 = tpu.memref_slice %arg5[%add3A_127, %dma_start3A_128, %mul3A_109] : memref<32x8x100000xf32, #tpu.memory_space<hbm>> -> memref<1x1x16xf32, #tpu.memory_space<hbm>>
    %dma_start3A_134 = tpu.memref_squeeze %dma_start3A_133 : memref<1x1x16xf32, #tpu.memory_space<hbm>> -> memref<16xf32, #tpu.memory_space<hbm>>
    %dma_start3A_135 = arith.constant 16 : i32
    %dma_start3A_136 = tpu.memref_slice %arg10[%dma_start3A_135] : memref<256xf32, #tpu.memory_space<vmem>> -> memref<16xf32, #tpu.memory_space<vmem>>
    tpu.enqueue_dma source(%dma_start3A_136 : memref<16xf32, #tpu.memory_space<vmem>>) target(%dma_start3A_134 : memref<16xf32, #tpu.memory_space<hbm>>) target_semaphore(%arg11 : memref<!tpu.dma_semaphore, #tpu.memory_space<semaphore_mem>>)
    %slice3A_137 = vector.extract_strided_slice %get3A_41 {offsets = [2], sizes = [1], strides = [1]} : vector<16xi32> to vector<1xi32>
    %squeeze3A_138 = vector.extract %slice3A_137[0] : i32 from vector<1xi32>
    %jit3A_139 = arith.constant 16 : i32
    %div3A_140 = arith.divsi %squeeze3A_138, %jit3A_139 : i32
    %sign3A_141 = arith.constant 0 : i32
    %sign3A_142 = arith.cmpi sgt, %squeeze3A_138, %sign3A_141 : i32
    %sign3A_143 = arith.extui %sign3A_142 : i1 to i32
    %sign3A_144 = arith.constant 0 : i32
    %sign3A_145 = arith.cmpi slt, %squeeze3A_138, %sign3A_144 : i32
    %sign3A_146 = arith.extui %sign3A_145 : i1 to i32
    %sign3A_147 = arith.subi %sign3A_143, %sign3A_146 : i32
    %sign3A_148 = arith.constant 0 : i32
    %sign3A_149 = arith.cmpi sgt, %jit3A_139, %sign3A_148 : i32
    %sign3A_150 = arith.extui %sign3A_149 : i1 to i32
    %sign3A_151 = arith.constant 0 : i32
    %sign3A_152 = arith.cmpi slt, %jit3A_139, %sign3A_151 : i32
    %sign3A_153 = arith.extui %sign3A_152 : i1 to i32
    %sign3A_154 = arith.subi %sign3A_150, %sign3A_153 : i32
    %ne3A_155 = arith.cmpi ne, %sign3A_147, %sign3A_154 : i32
    %rem3A_156 = arith.remsi %squeeze3A_138, %jit3A_139 : i32
    %ne3A_157 = arith.constant 0 : i32
    %ne3A_158 = arith.cmpi ne, %rem3A_156, %ne3A_157 : i32
    %and3A_159 = arith.andi %ne3A_155, %ne3A_158 : i1
    %sub3A_160 = arith.constant 1 : i32
    %sub3A_161 = arith.subi %div3A_140, %sub3A_160 : i32
    %select_n3A_162 = arith.select %and3A_159, %sub3A_161, %div3A_140 : i32
    %mul3A_163 = arith.constant 16 : i32
    %mul3A_164 = arith.muli %select_n3A_162, %mul3A_163 : i32
    %sub3A_165 = arith.subi %squeeze3A_138, %mul3A_164 : i32
    %eq3A_166 = vector.broadcast %sub3A_165 : i32 to vector<16xi32>
    %eq3A_167 = arith.cmpi eq, %iota3A, %eq3A_166 : vector<16xi32>
    %slice3A_168 = vector.extract_strided_slice %get3A_38 {offsets = [2], sizes = [1], strides = [1]} : vector<16xf32> to vector<1xf32>
    %squeeze3A_169 = vector.extract %slice3A_168[0] : f32 from vector<1xf32>
    %slice3A_170 = vector.extract_strided_slice %get3A_35 {offsets = [2], sizes = [1], strides = [1]} : vector<16xf32> to vector<1xf32>
    %squeeze3A_171 = vector.extract %slice3A_170[0] : f32 from vector<1xf32>
    %broadcast_in_dim3A_172 = vector.broadcast %squeeze3A_169 : f32 to vector<16xf32>
    %broadcast_in_dim3A_173 = vector.broadcast %squeeze3A_171 : f32 to vector<16xf32>
    %select_n3A_174 = arith.select %eq3A_167, %broadcast_in_dim3A_172, %broadcast_in_dim3A_173 : vector<16xi1>, vector<16xf32>
    %swap3A_175 = arith.constant 32 : index
    %swap3A_176 = tpu.vector_load %arg10[%swap3A_175] {strides = array<i32>} : memref<256xf32, #tpu.memory_space<vmem>>, vector<16xf32>,
    %swap3A_177 = vector.shape_cast %swap3A_176 : vector<16xf32> to vector<16xf32>
    %swap3A_178 = vector.shape_cast %select_n3A_174 : vector<16xf32> to vector<16xf32>
    tpu.vector_store %arg10[%swap3A_175], %swap3A_178 {strides = array<i32>} : memref<256xf32, #tpu.memory_space<vmem>>, vector<16xf32>,
    %mul3A_179 = arith.constant 2 : i32
    %mul3A_180 = arith.muli %arg1, %mul3A_179 : i32
    %add3A_181 = arith.constant 0 : i32
    %add3A_182 = arith.addi %mul3A_180, %add3A_181 : i32
    %dma_start3A_183 = arith.constant 2 : i32
    %dma_start3A_184 = arith.constant 32 : i32
    %dma_start3A_185 = tpu.memref_slice %arg10[%dma_start3A_184] : memref<256xf32, #tpu.memory_space<vmem>> -> memref<16xf32, #tpu.memory_space<vmem>>
    %dma_start3A_186 = tpu.memref_slice %arg5[%add3A_182, %dma_start3A_183, %mul3A_164] : memref<32x8x100000xf32, #tpu.memory_space<hbm>> -> memref<1x1x16xf32, #tpu.memory_space<hbm>>
    %dma_start3A_187 = tpu.memref_squeeze %dma_start3A_186 : memref<1x1x16xf32, #tpu.memory_space<hbm>> -> memref<16xf32, #tpu.memory_space<hbm>>
    %dma_start3A_188 = tpu.memref_slice %arg5[%add3A_182, %dma_start3A_183, %mul3A_164] : memref<32x8x100000xf32, #tpu.memory_space<hbm>> -> memref<1x1x16xf32, #tpu.memory_space<hbm>>
    %dma_start3A_189 = tpu.memref_squeeze %dma_start3A_188 : memref<1x1x16xf32, #tpu.memory_space<hbm>> -> memref<16xf32, #tpu.memory_space<hbm>>
    %dma_start3A_190 = arith.constant 32 : i32
    %dma_start3A_191 = tpu.memref_slice %arg10[%dma_start3A_190] : memref<256xf32, #tpu.memory_space<vmem>> -> memref<16xf32, #tpu.memory_space<vmem>>
    tpu.enqueue_dma source(%dma_start3A_191 : memref<16xf32, #tpu.memory_space<vmem>>) target(%dma_start3A_189 : memref<16xf32, #tpu.memory_space<hbm>>) target_semaphore(%arg11 : memref<!tpu.dma_semaphore, #tpu.memory_space<semaphore_mem>>)
    %slice3A_192 = vector.extract_strided_slice %get3A_41 {offsets = [3], sizes = [1], strides = [1]} : vector<16xi32> to vector<1xi32>
    %squeeze3A_193 = vector.extract %slice3A_192[0] : i32 from vector<1xi32>
    %jit3A_194 = arith.constant 16 : i32
    %div3A_195 = arith.divsi %squeeze3A_193, %jit3A_194 : i32
    %sign3A_196 = arith.constant 0 : i32
    %sign3A_197 = arith.cmpi sgt, %squeeze3A_193, %sign3A_196 : i32
    %sign3A_198 = arith.extui %sign3A_197 : i1 to i32
    %sign3A_199 = arith.constant 0 : i32
    %sign3A_200 = arith.cmpi slt, %squeeze3A_193, %sign3A_199 : i32
    %sign3A_201 = arith.extui %sign3A_200 : i1 to i32
    %sign3A_202 = arith.subi %sign3A_198, %sign3A_201 : i32
    %sign3A_203 = arith.constant 0 : i32
    %sign3A_204 = arith.cmpi sgt, %jit3A_194, %sign3A_203 : i32
    %sign3A_205 = arith.extui %sign3A_204 : i1 to i32
    %sign3A_206 = arith.constant 0 : i32
    %sign3A_207 = arith.cmpi slt, %jit3A_194, %sign3A_206 : i32
    %sign3A_208 = arith.extui %sign3A_207 : i1 to i32
    %sign3A_209 = arith.subi %sign3A_205, %sign3A_208 : i32
    %ne3A_210 = arith.cmpi ne, %sign3A_202, %sign3A_209 : i32
    %rem3A_211 = arith.remsi %squeeze3A_193, %jit3A_194 : i32
    %ne3A_212 = arith.constant 0 : i32
    %ne3A_213 = arith.cmpi ne, %rem3A_211, %ne3A_212 : i32
    %and3A_214 = arith.andi %ne3A_210, %ne3A_213 : i1
    %sub3A_215 = arith.constant 1 : i32
    %sub3A_216 = arith.subi %div3A_195, %sub3A_215 : i32
    %select_n3A_217 = arith.select %and3A_214, %sub3A_216, %div3A_195 : i32
    %mul3A_218 = arith.constant 16 : i32
    %mul3A_219 = arith.muli %select_n3A_217, %mul3A_218 : i32
    %sub3A_220 = arith.subi %squeeze3A_193, %mul3A_219 : i32
    %eq3A_221 = vector.broadcast %sub3A_220 : i32 to vector<16xi32>
    %eq3A_222 = arith.cmpi eq, %iota3A, %eq3A_221 : vector<16xi32>
    %slice3A_223 = vector.extract_strided_slice %get3A_38 {offsets = [3], sizes = [1], strides = [1]} : vector<16xf32> to vector<1xf32>
    %squeeze3A_224 = vector.extract %slice3A_223[0] : f32 from vector<1xf32>
    %slice3A_225 = vector.extract_strided_slice %get3A_35 {offsets = [3], sizes = [1], strides = [1]} : vector<16xf32> to vector<1xf32>
    %squeeze3A_226 = vector.extract %slice3A_225[0] : f32 from vector<1xf32>
    %broadcast_in_dim3A_227 = vector.broadcast %squeeze3A_224 : f32 to vector<16xf32>
    %broadcast_in_dim3A_228 = vector.broadcast %squeeze3A_226 : f32 to vector<16xf32>
    %select_n3A_229 = arith.select %eq3A_222, %broadcast_in_dim3A_227, %broadcast_in_dim3A_228 : vector<16xi1>, vector<16xf32>
    %swap3A_230 = arith.constant 48 : index
    %swap3A_231 = tpu.vector_load %arg10[%swap3A_230] {strides = array<i32>} : memref<256xf32, #tpu.memory_space<vmem>>, vector<16xf32>,
    %swap3A_232 = vector.shape_cast %swap3A_231 : vector<16xf32> to vector<16xf32>
    %swap3A_233 = vector.shape_cast %select_n3A_229 : vector<16xf32> to vector<16xf32>
    tpu.vector_store %arg10[%swap3A_230], %swap3A_233 {strides = array<i32>} : memref<256xf32, #tpu.memory_space<vmem>>, vector<16xf32>,
    %mul3A_234 = arith.constant 2 : i32
    %mul3A_235 = arith.muli %arg1, %mul3A_234 : i32
    %add3A_236 = arith.constant 0 : i32
    %add3A_237 = arith.addi %mul3A_235, %add3A_236 : i32
    %dma_start3A_238 = arith.constant 3 : i32
    %dma_start3A_239 = arith.constant 48 : i32
    %dma_start3A_240 = tpu.memref_slice %arg10[%dma_start3A_239] : memref<256xf32, #tpu.memory_space<vmem>> -> memref<16xf32, #tpu.memory_space<vmem>>
    %dma_start3A_241 = tpu.memref_slice %arg5[%add3A_237, %dma_start3A_238, %mul3A_219] : memref<32x8x100000xf32, #tpu.memory_space<hbm>> -> memref<1x1x16xf32, #tpu.memory_space<hbm>>
    %dma_start3A_242 = tpu.memref_squeeze %dma_start3A_241 : memref<1x1x16xf32, #tpu.memory_space<hbm>> -> memref<16xf32, #tpu.memory_space<hbm>>
    %dma_start3A_243 = tpu.memref_slice %arg5[%add3A_237, %dma_start3A_238, %mul3A_219] : memref<32x8x100000xf32, #tpu.memory_space<hbm>> -> memref<1x1x16xf32, #tpu.memory_space<hbm>>
    %dma_start3A_244 = tpu.memref_squeeze %dma_start3A_243 : memref<1x1x16xf32, #tpu.memory_space<hbm>> -> memref<16xf32, #tpu.memory_space<hbm>>
    %dma_start3A_245 = arith.constant 48 : i32
    %dma_start3A_246 = tpu.memref_slice %arg10[%dma_start3A_245] : memref<256xf32, #tpu.memory_space<vmem>> -> memref<16xf32, #tpu.memory_space<vmem>>
    tpu.enqueue_dma source(%dma_start3A_246 : memref<16xf32, #tpu.memory_space<vmem>>) target(%dma_start3A_244 : memref<16xf32, #tpu.memory_space<hbm>>) target_semaphore(%arg11 : memref<!tpu.dma_semaphore, #tpu.memory_space<semaphore_mem>>)
    %slice3A_247 = vector.extract_strided_slice %get3A_41 {offsets = [4], sizes = [1], strides = [1]} : vector<16xi32> to vector<1xi32>
    %squeeze3A_248 = vector.extract %slice3A_247[0] : i32 from vector<1xi32>
    %jit3A_249 = arith.constant 16 : i32
    %div3A_250 = arith.divsi %squeeze3A_248, %jit3A_249 : i32
    %sign3A_251 = arith.constant 0 : i32
    %sign3A_252 = arith.cmpi sgt, %squeeze3A_248, %sign3A_251 : i32
    %sign3A_253 = arith.extui %sign3A_252 : i1 to i32
    %sign3A_254 = arith.constant 0 : i32
    %sign3A_255 = arith.cmpi slt, %squeeze3A_248, %sign3A_254 : i32
    %sign3A_256 = arith.extui %sign3A_255 : i1 to i32
    %sign3A_257 = arith.subi %sign3A_253, %sign3A_256 : i32
    %sign3A_258 = arith.constant 0 : i32
    %sign3A_259 = arith.cmpi sgt, %jit3A_249, %sign3A_258 : i32
    %sign3A_260 = arith.extui %sign3A_259 : i1 to i32
    %sign3A_261 = arith.constant 0 : i32
    %sign3A_262 = arith.cmpi slt, %jit3A_249, %sign3A_261 : i32
    %sign3A_263 = arith.extui %sign3A_262 : i1 to i32
    %sign3A_264 = arith.subi %sign3A_260, %sign3A_263 : i32
    %ne3A_265 = arith.cmpi ne, %sign3A_257, %sign3A_264 : i32
    %rem3A_266 = arith.remsi %squeeze3A_248, %jit3A_249 : i32
    %ne3A_267 = arith.constant 0 : i32
    %ne3A_268 = arith.cmpi ne, %rem3A_266, %ne3A_267 : i32
    %and3A_269 = arith.andi %ne3A_265, %ne3A_268 : i1
    %sub3A_270 = arith.constant 1 : i32
    %sub3A_271 = arith.subi %div3A_250, %sub3A_270 : i32
    %select_n3A_272 = arith.select %and3A_269, %sub3A_271, %div3A_250 : i32
    %mul3A_273 = arith.constant 16 : i32
    %mul3A_274 = arith.muli %select_n3A_272, %mul3A_273 : i32
    %sub3A_275 = arith.subi %squeeze3A_248, %mul3A_274 : i32
    %eq3A_276 = vector.broadcast %sub3A_275 : i32 to vector<16xi32>
    %eq3A_277 = arith.cmpi eq, %iota3A, %eq3A_276 : vector<16xi32>
    %slice3A_278 = vector.extract_strided_slice %get3A_38 {offsets = [4], sizes = [1], strides = [1]} : vector<16xf32> to vector<1xf32>
    %squeeze3A_279 = vector.extract %slice3A_278[0] : f32 from vector<1xf32>
    %slice3A_280 = vector.extract_strided_slice %get3A_35 {offsets = [4], sizes = [1], strides = [1]} : vector<16xf32> to vector<1xf32>
    %squeeze3A_281 = vector.extract %slice3A_280[0] : f32 from vector<1xf32>
    %broadcast_in_dim3A_282 = vector.broadcast %squeeze3A_279 : f32 to vector<16xf32>
    %broadcast_in_dim3A_283 = vector.broadcast %squeeze3A_281 : f32 to vector<16xf32>
    %select_n3A_284 = arith.select %eq3A_277, %broadcast_in_dim3A_282, %broadcast_in_dim3A_283 : vector<16xi1>, vector<16xf32>
    %swap3A_285 = arith.constant 64 : index
    %swap3A_286 = tpu.vector_load %arg10[%swap3A_285] {strides = array<i32>} : memref<256xf32, #tpu.memory_space<vmem>>, vector<16xf32>,
    %swap3A_287 = vector.shape_cast %swap3A_286 : vector<16xf32> to vector<16xf32>
    %swap3A_288 = vector.shape_cast %select_n3A_284 : vector<16xf32> to vector<16xf32>
    tpu.vector_store %arg10[%swap3A_285], %swap3A_288 {strides = array<i32>} : memref<256xf32, #tpu.memory_space<vmem>>, vector<16xf32>,
    %mul3A_289 = arith.constant 2 : i32
    %mul3A_290 = arith.muli %arg1, %mul3A_289 : i32
    %add3A_291 = arith.constant 0 : i32
    %add3A_292 = arith.addi %mul3A_290, %add3A_291 : i32
    %dma_start3A_293 = arith.constant 4 : i32
    %dma_start3A_294 = arith.constant 64 : i32
    %dma_start3A_295 = tpu.memref_slice %arg10[%dma_start3A_294] : memref<256xf32, #tpu.memory_space<vmem>> -> memref<16xf32, #tpu.memory_space<vmem>>
    %dma_start3A_296 = tpu.memref_slice %arg5[%add3A_292, %dma_start3A_293, %mul3A_274] : memref<32x8x100000xf32, #tpu.memory_space<hbm>> -> memref<1x1x16xf32, #tpu.memory_space<hbm>>
    %dma_start3A_297 = tpu.memref_squeeze %dma_start3A_296 : memref<1x1x16xf32, #tpu.memory_space<hbm>> -> memref<16xf32, #tpu.memory_space<hbm>>
    %dma_start3A_298 = tpu.memref_slice %arg5[%add3A_292, %dma_start3A_293, %mul3A_274] : memref<32x8x100000xf32, #tpu.memory_space<hbm>> -> memref<1x1x16xf32, #tpu.memory_space<hbm>>
    %dma_start3A_299 = tpu.memref_squeeze %dma_start3A_298 : memref<1x1x16xf32, #tpu.memory_space<hbm>> -> memref<16xf32, #tpu.memory_space<hbm>>
    %dma_start3A_300 = arith.constant 64 : i32
    %dma_start3A_301 = tpu.memref_slice %arg10[%dma_start3A_300] : memref<256xf32, #tpu.memory_space<vmem>> -> memref<16xf32, #tpu.memory_space<vmem>>
    tpu.enqueue_dma source(%dma_start3A_301 : memref<16xf32, #tpu.memory_space<vmem>>) target(%dma_start3A_299 : memref<16xf32, #tpu.memory_space<hbm>>) target_semaphore(%arg11 : memref<!tpu.dma_semaphore, #tpu.memory_space<semaphore_mem>>)
    %slice3A_302 = vector.extract_strided_slice %get3A_41 {offsets = [5], sizes = [1], strides = [1]} : vector<16xi32> to vector<1xi32>
    %squeeze3A_303 = vector.extract %slice3A_302[0] : i32 from vector<1xi32>
    %jit3A_304 = arith.constant 16 : i32
    %div3A_305 = arith.divsi %squeeze3A_303, %jit3A_304 : i32
    %sign3A_306 = arith.constant 0 : i32
    %sign3A_307 = arith.cmpi sgt, %squeeze3A_303, %sign3A_306 : i32
    %sign3A_308 = arith.extui %sign3A_307 : i1 to i32
    %sign3A_309 = arith.constant 0 : i32
    %sign3A_310 = arith.cmpi slt, %squeeze3A_303, %sign3A_309 : i32
    %sign3A_311 = arith.extui %sign3A_310 : i1 to i32
    %sign3A_312 = arith.subi %sign3A_308, %sign3A_311 : i32
    %sign3A_313 = arith.constant 0 : i32
    %sign3A_314 = arith.cmpi sgt, %jit3A_304, %sign3A_313 : i32
    %sign3A_315 = arith.extui %sign3A_314 : i1 to i32
    %sign3A_316 = arith.constant 0 : i32
    %sign3A_317 = arith.cmpi slt, %jit3A_304, %sign3A_316 : i32
    %sign3A_318 = arith.extui %sign3A_317 : i1 to i32
    %sign3A_319 = arith.subi %sign3A_315, %sign3A_318 : i32
    %ne3A_320 = arith.cmpi ne, %sign3A_312, %sign3A_319 : i32
    %rem3A_321 = arith.remsi %squeeze3A_303, %jit3A_304 : i32
    %ne3A_322 = arith.constant 0 : i32
    %ne3A_323 = arith.cmpi ne, %rem3A_321, %ne3A_322 : i32
    %and3A_324 = arith.andi %ne3A_320, %ne3A_323 : i1
    %sub3A_325 = arith.constant 1 : i32
    %sub3A_326 = arith.subi %div3A_305, %sub3A_325 : i32
    %select_n3A_327 = arith.select %and3A_324, %sub3A_326, %div3A_305 : i32
    %mul3A_328 = arith.constant 16 : i32
    %mul3A_329 = arith.muli %select_n3A_327, %mul3A_328 : i32
    %sub3A_330 = arith.subi %squeeze3A_303, %mul3A_329 : i32
    %eq3A_331 = vector.broadcast %sub3A_330 : i32 to vector<16xi32>
    %eq3A_332 = arith.cmpi eq, %iota3A, %eq3A_331 : vector<16xi32>
    %slice3A_333 = vector.extract_strided_slice %get3A_38 {offsets = [5], sizes = [1], strides = [1]} : vector<16xf32> to vector<1xf32>
    %squeeze3A_334 = vector.extract %slice3A_333[0] : f32 from vector<1xf32>
    %slice3A_335 = vector.extract_strided_slice %get3A_35 {offsets = [5], sizes = [1], strides = [1]} : vector<16xf32> to vector<1xf32>
    %squeeze3A_336 = vector.extract %slice3A_335[0] : f32 from vector<1xf32>
    %broadcast_in_dim3A_337 = vector.broadcast %squeeze3A_334 : f32 to vector<16xf32>
    %broadcast_in_dim3A_338 = vector.broadcast %squeeze3A_336 : f32 to vector<16xf32>
    %select_n3A_339 = arith.select %eq3A_332, %broadcast_in_dim3A_337, %broadcast_in_dim3A_338 : vector<16xi1>, vector<16xf32>
    %swap3A_340 = arith.constant 80 : index
    %swap3A_341 = tpu.vector_load %arg10[%swap3A_340] {strides = array<i32>} : memref<256xf32, #tpu.memory_space<vmem>>, vector<16xf32>,
    %swap3A_342 = vector.shape_cast %swap3A_341 : vector<16xf32> to vector<16xf32>
    %swap3A_343 = vector.shape_cast %select_n3A_339 : vector<16xf32> to vector<16xf32>
    tpu.vector_store %arg10[%swap3A_340], %swap3A_343 {strides = array<i32>} : memref<256xf32, #tpu.memory_space<vmem>>, vector<16xf32>,
    %mul3A_344 = arith.constant 2 : i32
    %mul3A_345 = arith.muli %arg1, %mul3A_344 : i32
    %add3A_346 = arith.constant 0 : i32
    %add3A_347 = arith.addi %mul3A_345, %add3A_346 : i32
    %dma_start3A_348 = arith.constant 5 : i32
    %dma_start3A_349 = arith.constant 80 : i32
    %dma_start3A_350 = tpu.memref_slice %arg10[%dma_start3A_349] : memref<256xf32, #tpu.memory_space<vmem>> -> memref<16xf32, #tpu.memory_space<vmem>>
    %dma_start3A_351 = tpu.memref_slice %arg5[%add3A_347, %dma_start3A_348, %mul3A_329] : memref<32x8x100000xf32, #tpu.memory_space<hbm>> -> memref<1x1x16xf32, #tpu.memory_space<hbm>>
    %dma_start3A_352 = tpu.memref_squeeze %dma_start3A_351 : memref<1x1x16xf32, #tpu.memory_space<hbm>> -> memref<16xf32, #tpu.memory_space<hbm>>
    %dma_start3A_353 = tpu.memref_slice %arg5[%add3A_347, %dma_start3A_348, %mul3A_329] : memref<32x8x100000xf32, #tpu.memory_space<hbm>> -> memref<1x1x16xf32, #tpu.memory_space<hbm>>
    %dma_start3A_354 = tpu.memref_squeeze %dma_start3A_353 : memref<1x1x16xf32, #tpu.memory_space<hbm>> -> memref<16xf32, #tpu.memory_space<hbm>>
    %dma_start3A_355 = arith.constant 80 : i32
    %dma_start3A_356 = tpu.memref_slice %arg10[%dma_start3A_355] : memref<256xf32, #tpu.memory_space<vmem>> -> memref<16xf32, #tpu.memory_space<vmem>>
    tpu.enqueue_dma source(%dma_start3A_356 : memref<16xf32, #tpu.memory_space<vmem>>) target(%dma_start3A_354 : memref<16xf32, #tpu.memory_space<hbm>>) target_semaphore(%arg11 : memref<!tpu.dma_semaphore, #tpu.memory_space<semaphore_mem>>)
    %slice3A_357 = vector.extract_strided_slice %get3A_41 {offsets = [6], sizes = [1], strides = [1]} : vector<16xi32> to vector<1xi32>
    %squeeze3A_358 = vector.extract %slice3A_357[0] : i32 from vector<1xi32>
    %jit3A_359 = arith.constant 16 : i32
    %div3A_360 = arith.divsi %squeeze3A_358, %jit3A_359 : i32
    %sign3A_361 = arith.constant 0 : i32
    %sign3A_362 = arith.cmpi sgt, %squeeze3A_358, %sign3A_361 : i32
    %sign3A_363 = arith.extui %sign3A_362 : i1 to i32
    %sign3A_364 = arith.constant 0 : i32
    %sign3A_365 = arith.cmpi slt, %squeeze3A_358, %sign3A_364 : i32
    %sign3A_366 = arith.extui %sign3A_365 : i1 to i32
    %sign3A_367 = arith.subi %sign3A_363, %sign3A_366 : i32
    %sign3A_368 = arith.constant 0 : i32
    %sign3A_369 = arith.cmpi sgt, %jit3A_359, %sign3A_368 : i32
    %sign3A_370 = arith.extui %sign3A_369 : i1 to i32
    %sign3A_371 = arith.constant 0 : i32
    %sign3A_372 = arith.cmpi slt, %jit3A_359, %sign3A_371 : i32
    %sign3A_373 = arith.extui %sign3A_372 : i1 to i32
    %sign3A_374 = arith.subi %sign3A_370, %sign3A_373 : i32
    %ne3A_375 = arith.cmpi ne, %sign3A_367, %sign3A_374 : i32
    %rem3A_376 = arith.remsi %squeeze3A_358, %jit3A_359 : i32
    %ne3A_377 = arith.constant 0 : i32
    %ne3A_378 = arith.cmpi ne, %rem3A_376, %ne3A_377 : i32
    %and3A_379 = arith.andi %ne3A_375, %ne3A_378 : i1
    %sub3A_380 = arith.constant 1 : i32
    %sub3A_381 = arith.subi %div3A_360, %sub3A_380 : i32
    %select_n3A_382 = arith.select %and3A_379, %sub3A_381, %div3A_360 : i32
    %mul3A_383 = arith.constant 16 : i32
    %mul3A_384 = arith.muli %select_n3A_382, %mul3A_383 : i32
    %sub3A_385 = arith.subi %squeeze3A_358, %mul3A_384 : i32
    %eq3A_386 = vector.broadcast %sub3A_385 : i32 to vector<16xi32>
    %eq3A_387 = arith.cmpi eq, %iota3A, %eq3A_386 : vector<16xi32>
    %slice3A_388 = vector.extract_strided_slice %get3A_38 {offsets = [6], sizes = [1], strides = [1]} : vector<16xf32> to vector<1xf32>
    %squeeze3A_389 = vector.extract %slice3A_388[0] : f32 from vector<1xf32>
    %slice3A_390 = vector.extract_strided_slice %get3A_35 {offsets = [6], sizes = [1], strides = [1]} : vector<16xf32> to vector<1xf32>
    %squeeze3A_391 = vector.extract %slice3A_390[0] : f32 from vector<1xf32>
    %broadcast_in_dim3A_392 = vector.broadcast %squeeze3A_389 : f32 to vector<16xf32>
    %broadcast_in_dim3A_393 = vector.broadcast %squeeze3A_391 : f32 to vector<16xf32>
    %select_n3A_394 = arith.select %eq3A_387, %broadcast_in_dim3A_392, %broadcast_in_dim3A_393 : vector<16xi1>, vector<16xf32>
    %swap3A_395 = arith.constant 96 : index
    %swap3A_396 = tpu.vector_load %arg10[%swap3A_395] {strides = array<i32>} : memref<256xf32, #tpu.memory_space<vmem>>, vector<16xf32>,
    %swap3A_397 = vector.shape_cast %swap3A_396 : vector<16xf32> to vector<16xf32>
    %swap3A_398 = vector.shape_cast %select_n3A_394 : vector<16xf32> to vector<16xf32>
    tpu.vector_store %arg10[%swap3A_395], %swap3A_398 {strides = array<i32>} : memref<256xf32, #tpu.memory_space<vmem>>, vector<16xf32>,
    %mul3A_399 = arith.constant 2 : i32
    %mul3A_400 = arith.muli %arg1, %mul3A_399 : i32
    %add3A_401 = arith.constant 0 : i32
    %add3A_402 = arith.addi %mul3A_400, %add3A_401 : i32
    %dma_start3A_403 = arith.constant 6 : i32
    %dma_start3A_404 = arith.constant 96 : i32
    %dma_start3A_405 = tpu.memref_slice %arg10[%dma_start3A_404] : memref<256xf32, #tpu.memory_space<vmem>> -> memref<16xf32, #tpu.memory_space<vmem>>
    %dma_start3A_406 = tpu.memref_slice %arg5[%add3A_402, %dma_start3A_403, %mul3A_384] : memref<32x8x100000xf32, #tpu.memory_space<hbm>> -> memref<1x1x16xf32, #tpu.memory_space<hbm>>
    %dma_start3A_407 = tpu.memref_squeeze %dma_start3A_406 : memref<1x1x16xf32, #tpu.memory_space<hbm>> -> memref<16xf32, #tpu.memory_space<hbm>>
    %dma_start3A_408 = tpu.memref_slice %arg5[%add3A_402, %dma_start3A_403, %mul3A_384] : memref<32x8x100000xf32, #tpu.memory_space<hbm>> -> memref<1x1x16xf32, #tpu.memory_space<hbm>>
    %dma_start3A_409 = tpu.memref_squeeze %dma_start3A_408 : memref<1x1x16xf32, #tpu.memory_space<hbm>> -> memref<16xf32, #tpu.memory_space<hbm>>
    %dma_start3A_410 = arith.constant 96 : i32
    %dma_start3A_411 = tpu.memref_slice %arg10[%dma_start3A_410] : memref<256xf32, #tpu.memory_space<vmem>> -> memref<16xf32, #tpu.memory_space<vmem>>
    tpu.enqueue_dma source(%dma_start3A_411 : memref<16xf32, #tpu.memory_space<vmem>>) target(%dma_start3A_409 : memref<16xf32, #tpu.memory_space<hbm>>) target_semaphore(%arg11 : memref<!tpu.dma_semaphore, #tpu.memory_space<semaphore_mem>>)
    %slice3A_412 = vector.extract_strided_slice %get3A_41 {offsets = [7], sizes = [1], strides = [1]} : vector<16xi32> to vector<1xi32>
    %squeeze3A_413 = vector.extract %slice3A_412[0] : i32 from vector<1xi32>
    %jit3A_414 = arith.constant 16 : i32
    %div3A_415 = arith.divsi %squeeze3A_413, %jit3A_414 : i32
    %sign3A_416 = arith.constant 0 : i32
    %sign3A_417 = arith.cmpi sgt, %squeeze3A_413, %sign3A_416 : i32
    %sign3A_418 = arith.extui %sign3A_417 : i1 to i32
    %sign3A_419 = arith.constant 0 : i32
    %sign3A_420 = arith.cmpi slt, %squeeze3A_413, %sign3A_419 : i32
    %sign3A_421 = arith.extui %sign3A_420 : i1 to i32
    %sign3A_422 = arith.subi %sign3A_418, %sign3A_421 : i32
    %sign3A_423 = arith.constant 0 : i32
    %sign3A_424 = arith.cmpi sgt, %jit3A_414, %sign3A_423 : i32
    %sign3A_425 = arith.extui %sign3A_424 : i1 to i32
    %sign3A_426 = arith.constant 0 : i32
    %sign3A_427 = arith.cmpi slt, %jit3A_414, %sign3A_426 : i32
    %sign3A_428 = arith.extui %sign3A_427 : i1 to i32
    %sign3A_429 = arith.subi %sign3A_425, %sign3A_428 : i32
    %ne3A_430 = arith.cmpi ne, %sign3A_422, %sign3A_429 : i32
    %rem3A_431 = arith.remsi %squeeze3A_413, %jit3A_414 : i32
    %ne3A_432 = arith.constant 0 : i32
    %ne3A_433 = arith.cmpi ne, %rem3A_431, %ne3A_432 : i32
    %and3A_434 = arith.andi %ne3A_430, %ne3A_433 : i1
    %sub3A_435 = arith.constant 1 : i32
    %sub3A_436 = arith.subi %div3A_415, %sub3A_435 : i32
    %select_n3A_437 = arith.select %and3A_434, %sub3A_436, %div3A_415 : i32
    %mul3A_438 = arith.constant 16 : i32
    %mul3A_439 = arith.muli %select_n3A_437, %mul3A_438 : i32
    %sub3A_440 = arith.subi %squeeze3A_413, %mul3A_439 : i32
    %eq3A_441 = vector.broadcast %sub3A_440 : i32 to vector<16xi32>
    %eq3A_442 = arith.cmpi eq, %iota3A, %eq3A_441 : vector<16xi32>
    %slice3A_443 = vector.extract_strided_slice %get3A_38 {offsets = [7], sizes = [1], strides = [1]} : vector<16xf32> to vector<1xf32>
    %squeeze3A_444 = vector.extract %slice3A_443[0] : f32 from vector<1xf32>
    %slice3A_445 = vector.extract_strided_slice %get3A_35 {offsets = [7], sizes = [1], strides = [1]} : vector<16xf32> to vector<1xf32>
    %squeeze3A_446 = vector.extract %slice3A_445[0] : f32 from vector<1xf32>
    %broadcast_in_dim3A_447 = vector.broadcast %squeeze3A_444 : f32 to vector<16xf32>
    %broadcast_in_dim3A_448 = vector.broadcast %squeeze3A_446 : f32 to vector<16xf32>
    %select_n3A_449 = arith.select %eq3A_442, %broadcast_in_dim3A_447, %broadcast_in_dim3A_448 : vector<16xi1>, vector<16xf32>
    %swap3A_450 = arith.constant 112 : index
    %swap3A_451 = tpu.vector_load %arg10[%swap3A_450] {strides = array<i32>} : memref<256xf32, #tpu.memory_space<vmem>>, vector<16xf32>,
    %swap3A_452 = vector.shape_cast %swap3A_451 : vector<16xf32> to vector<16xf32>
    %swap3A_453 = vector.shape_cast %select_n3A_449 : vector<16xf32> to vector<16xf32>
    tpu.vector_store %arg10[%swap3A_450], %swap3A_453 {strides = array<i32>} : memref<256xf32, #tpu.memory_space<vmem>>, vector<16xf32>,
    %mul3A_454 = arith.constant 2 : i32
    %mul3A_455 = arith.muli %arg1, %mul3A_454 : i32
    %add3A_456 = arith.constant 0 : i32
    %add3A_457 = arith.addi %mul3A_455, %add3A_456 : i32
    %dma_start3A_458 = arith.constant 7 : i32
    %dma_start3A_459 = arith.constant 112 : i32
    %dma_start3A_460 = tpu.memref_slice %arg10[%dma_start3A_459] : memref<256xf32, #tpu.memory_space<vmem>> -> memref<16xf32, #tpu.memory_space<vmem>>
    %dma_start3A_461 = tpu.memref_slice %arg5[%add3A_457, %dma_start3A_458, %mul3A_439] : memref<32x8x100000xf32, #tpu.memory_space<hbm>> -> memref<1x1x16xf32, #tpu.memory_space<hbm>>
    %dma_start3A_462 = tpu.memref_squeeze %dma_start3A_461 : memref<1x1x16xf32, #tpu.memory_space<hbm>> -> memref<16xf32, #tpu.memory_space<hbm>>
    %dma_start3A_463 = tpu.memref_slice %arg5[%add3A_457, %dma_start3A_458, %mul3A_439] : memref<32x8x100000xf32, #tpu.memory_space<hbm>> -> memref<1x1x16xf32, #tpu.memory_space<hbm>>
    %dma_start3A_464 = tpu.memref_squeeze %dma_start3A_463 : memref<1x1x16xf32, #tpu.memory_space<hbm>> -> memref<16xf32, #tpu.memory_space<hbm>>
    %dma_start3A_465 = arith.constant 112 : i32
    %dma_start3A_466 = tpu.memref_slice %arg10[%dma_start3A_465] : memref<256xf32, #tpu.memory_space<vmem>> -> memref<16xf32, #tpu.memory_space<vmem>>
    tpu.enqueue_dma source(%dma_start3A_466 : memref<16xf32, #tpu.memory_space<vmem>>) target(%dma_start3A_464 : memref<16xf32, #tpu.memory_space<hbm>>) target_semaphore(%arg11 : memref<!tpu.dma_semaphore, #tpu.memory_space<semaphore_mem>>)
    %slice3A_467 = vector.extract_strided_slice %get3A_41 {offsets = [8], sizes = [1], strides = [1]} : vector<16xi32> to vector<1xi32>
    %squeeze3A_468 = vector.extract %slice3A_467[0] : i32 from vector<1xi32>
    %jit3A_469 = arith.constant 16 : i32
    %div3A_470 = arith.divsi %squeeze3A_468, %jit3A_469 : i32
    %sign3A_471 = arith.constant 0 : i32
    %sign3A_472 = arith.cmpi sgt, %squeeze3A_468, %sign3A_471 : i32
    %sign3A_473 = arith.extui %sign3A_472 : i1 to i32
    %sign3A_474 = arith.constant 0 : i32
    %sign3A_475 = arith.cmpi slt, %squeeze3A_468, %sign3A_474 : i32
    %sign3A_476 = arith.extui %sign3A_475 : i1 to i32
    %sign3A_477 = arith.subi %sign3A_473, %sign3A_476 : i32
    %sign3A_478 = arith.constant 0 : i32
    %sign3A_479 = arith.cmpi sgt, %jit3A_469, %sign3A_478 : i32
    %sign3A_480 = arith.extui %sign3A_479 : i1 to i32
    %sign3A_481 = arith.constant 0 : i32
    %sign3A_482 = arith.cmpi slt, %jit3A_469, %sign3A_481 : i32
    %sign3A_483 = arith.extui %sign3A_482 : i1 to i32
    %sign3A_484 = arith.subi %sign3A_480, %sign3A_483 : i32
    %ne3A_485 = arith.cmpi ne, %sign3A_477, %sign3A_484 : i32
    %rem3A_486 = arith.remsi %squeeze3A_468, %jit3A_469 : i32
    %ne3A_487 = arith.constant 0 : i32
    %ne3A_488 = arith.cmpi ne, %rem3A_486, %ne3A_487 : i32
    %and3A_489 = arith.andi %ne3A_485, %ne3A_488 : i1
    %sub3A_490 = arith.constant 1 : i32
    %sub3A_491 = arith.subi %div3A_470, %sub3A_490 : i32
    %select_n3A_492 = arith.select %and3A_489, %sub3A_491, %div3A_470 : i32
    %mul3A_493 = arith.constant 16 : i32
    %mul3A_494 = arith.muli %select_n3A_492, %mul3A_493 : i32
    %sub3A_495 = arith.subi %squeeze3A_468, %mul3A_494 : i32
    %eq3A_496 = vector.broadcast %sub3A_495 : i32 to vector<16xi32>
    %eq3A_497 = arith.cmpi eq, %iota3A, %eq3A_496 : vector<16xi32>
    %slice3A_498 = vector.extract_strided_slice %get3A_38 {offsets = [8], sizes = [1], strides = [1]} : vector<16xf32> to vector<1xf32>
    %squeeze3A_499 = vector.extract %slice3A_498[0] : f32 from vector<1xf32>
    %slice3A_500 = vector.extract_strided_slice %get3A_35 {offsets = [8], sizes = [1], strides = [1]} : vector<16xf32> to vector<1xf32>
    %squeeze3A_501 = vector.extract %slice3A_500[0] : f32 from vector<1xf32>
    %broadcast_in_dim3A_502 = vector.broadcast %squeeze3A_499 : f32 to vector<16xf32>
    %broadcast_in_dim3A_503 = vector.broadcast %squeeze3A_501 : f32 to vector<16xf32>
    %select_n3A_504 = arith.select %eq3A_497, %broadcast_in_dim3A_502, %broadcast_in_dim3A_503 : vector<16xi1>, vector<16xf32>
    %swap3A_505 = arith.constant 128 : index
    %swap3A_506 = tpu.vector_load %arg10[%swap3A_505] {strides = array<i32>} : memref<256xf32, #tpu.memory_space<vmem>>, vector<16xf32>,
    %swap3A_507 = vector.shape_cast %swap3A_506 : vector<16xf32> to vector<16xf32>
    %swap3A_508 = vector.shape_cast %select_n3A_504 : vector<16xf32> to vector<16xf32>
    tpu.vector_store %arg10[%swap3A_505], %swap3A_508 {strides = array<i32>} : memref<256xf32, #tpu.memory_space<vmem>>, vector<16xf32>,
    %mul3A_509 = arith.constant 2 : i32
    %mul3A_510 = arith.muli %arg1, %mul3A_509 : i32
    %add3A_511 = arith.constant 1 : i32
    %add3A_512 = arith.addi %mul3A_510, %add3A_511 : i32
    %dma_start3A_513 = arith.constant 0 : i32
    %dma_start3A_514 = arith.constant 128 : i32
    %dma_start3A_515 = tpu.memref_slice %arg10[%dma_start3A_514] : memref<256xf32, #tpu.memory_space<vmem>> -> memref<16xf32, #tpu.memory_space<vmem>>
    %dma_start3A_516 = tpu.memref_slice %arg5[%add3A_512, %dma_start3A_513, %mul3A_494] : memref<32x8x100000xf32, #tpu.memory_space<hbm>> -> memref<1x1x16xf32, #tpu.memory_space<hbm>>
    %dma_start3A_517 = tpu.memref_squeeze %dma_start3A_516 : memref<1x1x16xf32, #tpu.memory_space<hbm>> -> memref<16xf32, #tpu.memory_space<hbm>>
    %dma_start3A_518 = tpu.memref_slice %arg5[%add3A_512, %dma_start3A_513, %mul3A_494] : memref<32x8x100000xf32, #tpu.memory_space<hbm>> -> memref<1x1x16xf32, #tpu.memory_space<hbm>>
    %dma_start3A_519 = tpu.memref_squeeze %dma_start3A_518 : memref<1x1x16xf32, #tpu.memory_space<hbm>> -> memref<16xf32, #tpu.memory_space<hbm>>
    %dma_start3A_520 = arith.constant 128 : i32
    %dma_start3A_521 = tpu.memref_slice %arg10[%dma_start3A_520] : memref<256xf32, #tpu.memory_space<vmem>> -> memref<16xf32, #tpu.memory_space<vmem>>
    tpu.enqueue_dma source(%dma_start3A_521 : memref<16xf32, #tpu.memory_space<vmem>>) target(%dma_start3A_519 : memref<16xf32, #tpu.memory_space<hbm>>) target_semaphore(%arg11 : memref<!tpu.dma_semaphore, #tpu.memory_space<semaphore_mem>>)
    %slice3A_522 = vector.extract_strided_slice %get3A_41 {offsets = [9], sizes = [1], strides = [1]} : vector<16xi32> to vector<1xi32>
    %squeeze3A_523 = vector.extract %slice3A_522[0] : i32 from vector<1xi32>
    %jit3A_524 = arith.constant 16 : i32
    %div3A_525 = arith.divsi %squeeze3A_523, %jit3A_524 : i32
    %sign3A_526 = arith.constant 0 : i32
    %sign3A_527 = arith.cmpi sgt, %squeeze3A_523, %sign3A_526 : i32
    %sign3A_528 = arith.extui %sign3A_527 : i1 to i32
    %sign3A_529 = arith.constant 0 : i32
    %sign3A_530 = arith.cmpi slt, %squeeze3A_523, %sign3A_529 : i32
    %sign3A_531 = arith.extui %sign3A_530 : i1 to i32
    %sign3A_532 = arith.subi %sign3A_528, %sign3A_531 : i32
    %sign3A_533 = arith.constant 0 : i32
    %sign3A_534 = arith.cmpi sgt, %jit3A_524, %sign3A_533 : i32
    %sign3A_535 = arith.extui %sign3A_534 : i1 to i32
    %sign3A_536 = arith.constant 0 : i32
    %sign3A_537 = arith.cmpi slt, %jit3A_524, %sign3A_536 : i32
    %sign3A_538 = arith.extui %sign3A_537 : i1 to i32
    %sign3A_539 = arith.subi %sign3A_535, %sign3A_538 : i32
    %ne3A_540 = arith.cmpi ne, %sign3A_532, %sign3A_539 : i32
    %rem3A_541 = arith.remsi %squeeze3A_523, %jit3A_524 : i32
    %ne3A_542 = arith.constant 0 : i32
    %ne3A_543 = arith.cmpi ne, %rem3A_541, %ne3A_542 : i32
    %and3A_544 = arith.andi %ne3A_540, %ne3A_543 : i1
    %sub3A_545 = arith.constant 1 : i32
    %sub3A_546 = arith.subi %div3A_525, %sub3A_545 : i32
    %select_n3A_547 = arith.select %and3A_544, %sub3A_546, %div3A_525 : i32
    %mul3A_548 = arith.constant 16 : i32
    %mul3A_549 = arith.muli %select_n3A_547, %mul3A_548 : i32
    %sub3A_550 = arith.subi %squeeze3A_523, %mul3A_549 : i32
    %eq3A_551 = vector.broadcast %sub3A_550 : i32 to vector<16xi32>
    %eq3A_552 = arith.cmpi eq, %iota3A, %eq3A_551 : vector<16xi32>
    %slice3A_553 = vector.extract_strided_slice %get3A_38 {offsets = [9], sizes = [1], strides = [1]} : vector<16xf32> to vector<1xf32>
    %squeeze3A_554 = vector.extract %slice3A_553[0] : f32 from vector<1xf32>
    %slice3A_555 = vector.extract_strided_slice %get3A_35 {offsets = [9], sizes = [1], strides = [1]} : vector<16xf32> to vector<1xf32>
    %squeeze3A_556 = vector.extract %slice3A_555[0] : f32 from vector<1xf32>
    %broadcast_in_dim3A_557 = vector.broadcast %squeeze3A_554 : f32 to vector<16xf32>
    %broadcast_in_dim3A_558 = vector.broadcast %squeeze3A_556 : f32 to vector<16xf32>
    %select_n3A_559 = arith.select %eq3A_552, %broadcast_in_dim3A_557, %broadcast_in_dim3A_558 : vector<16xi1>, vector<16xf32>
    %swap3A_560 = arith.constant 144 : index
    %swap3A_561 = tpu.vector_load %arg10[%swap3A_560] {strides = array<i32>} : memref<256xf32, #tpu.memory_space<vmem>>, vector<16xf32>,
    %swap3A_562 = vector.shape_cast %swap3A_561 : vector<16xf32> to vector<16xf32>
    %swap3A_563 = vector.shape_cast %select_n3A_559 : vector<16xf32> to vector<16xf32>
    tpu.vector_store %arg10[%swap3A_560], %swap3A_563 {strides = array<i32>} : memref<256xf32, #tpu.memory_space<vmem>>, vector<16xf32>,
    %mul3A_564 = arith.constant 2 : i32
    %mul3A_565 = arith.muli %arg1, %mul3A_564 : i32
    %add3A_566 = arith.constant 1 : i32
    %add3A_567 = arith.addi %mul3A_565, %add3A_566 : i32
    %dma_start3A_568 = arith.constant 1 : i32
    %dma_start3A_569 = arith.constant 144 : i32
    %dma_start3A_570 = tpu.memref_slice %arg10[%dma_start3A_569] : memref<256xf32, #tpu.memory_space<vmem>> -> memref<16xf32, #tpu.memory_space<vmem>>
    %dma_start3A_571 = tpu.memref_slice %arg5[%add3A_567, %dma_start3A_568, %mul3A_549] : memref<32x8x100000xf32, #tpu.memory_space<hbm>> -> memref<1x1x16xf32, #tpu.memory_space<hbm>>
    %dma_start3A_572 = tpu.memref_squeeze %dma_start3A_571 : memref<1x1x16xf32, #tpu.memory_space<hbm>> -> memref<16xf32, #tpu.memory_space<hbm>>
    %dma_start3A_573 = tpu.memref_slice %arg5[%add3A_567, %dma_start3A_568, %mul3A_549] : memref<32x8x100000xf32, #tpu.memory_space<hbm>> -> memref<1x1x16xf32, #tpu.memory_space<hbm>>
    %dma_start3A_574 = tpu.memref_squeeze %dma_start3A_573 : memref<1x1x16xf32, #tpu.memory_space<hbm>> -> memref<16xf32, #tpu.memory_space<hbm>>
    %dma_start3A_575 = arith.constant 144 : i32
    %dma_start3A_576 = tpu.memref_slice %arg10[%dma_start3A_575] : memref<256xf32, #tpu.memory_space<vmem>> -> memref<16xf32, #tpu.memory_space<vmem>>
    tpu.enqueue_dma source(%dma_start3A_576 : memref<16xf32, #tpu.memory_space<vmem>>) target(%dma_start3A_574 : memref<16xf32, #tpu.memory_space<hbm>>) target_semaphore(%arg11 : memref<!tpu.dma_semaphore, #tpu.memory_space<semaphore_mem>>)
    %slice3A_577 = vector.extract_strided_slice %get3A_41 {offsets = [10], sizes = [1], strides = [1]} : vector<16xi32> to vector<1xi32>
    %squeeze3A_578 = vector.extract %slice3A_577[0] : i32 from vector<1xi32>
    %jit3A_579 = arith.constant 16 : i32
    %div3A_580 = arith.divsi %squeeze3A_578, %jit3A_579 : i32
    %sign3A_581 = arith.constant 0 : i32
    %sign3A_582 = arith.cmpi sgt, %squeeze3A_578, %sign3A_581 : i32
    %sign3A_583 = arith.extui %sign3A_582 : i1 to i32
    %sign3A_584 = arith.constant 0 : i32
    %sign3A_585 = arith.cmpi slt, %squeeze3A_578, %sign3A_584 : i32
    %sign3A_586 = arith.extui %sign3A_585 : i1 to i32
    %sign3A_587 = arith.subi %sign3A_583, %sign3A_586 : i32
    %sign3A_588 = arith.constant 0 : i32
    %sign3A_589 = arith.cmpi sgt, %jit3A_579, %sign3A_588 : i32
    %sign3A_590 = arith.extui %sign3A_589 : i1 to i32
    %sign3A_591 = arith.constant 0 : i32
    %sign3A_592 = arith.cmpi slt, %jit3A_579, %sign3A_591 : i32
    %sign3A_593 = arith.extui %sign3A_592 : i1 to i32
    %sign3A_594 = arith.subi %sign3A_590, %sign3A_593 : i32
    %ne3A_595 = arith.cmpi ne, %sign3A_587, %sign3A_594 : i32
    %rem3A_596 = arith.remsi %squeeze3A_578, %jit3A_579 : i32
    %ne3A_597 = arith.constant 0 : i32
    %ne3A_598 = arith.cmpi ne, %rem3A_596, %ne3A_597 : i32
    %and3A_599 = arith.andi %ne3A_595, %ne3A_598 : i1
    %sub3A_600 = arith.constant 1 : i32
    %sub3A_601 = arith.subi %div3A_580, %sub3A_600 : i32
    %select_n3A_602 = arith.select %and3A_599, %sub3A_601, %div3A_580 : i32
    %mul3A_603 = arith.constant 16 : i32
    %mul3A_604 = arith.muli %select_n3A_602, %mul3A_603 : i32
    %sub3A_605 = arith.subi %squeeze3A_578, %mul3A_604 : i32
    %eq3A_606 = vector.broadcast %sub3A_605 : i32 to vector<16xi32>
    %eq3A_607 = arith.cmpi eq, %iota3A, %eq3A_606 : vector<16xi32>
    %slice3A_608 = vector.extract_strided_slice %get3A_38 {offsets = [10], sizes = [1], strides = [1]} : vector<16xf32> to vector<1xf32>
    %squeeze3A_609 = vector.extract %slice3A_608[0] : f32 from vector<1xf32>
    %slice3A_610 = vector.extract_strided_slice %get3A_35 {offsets = [10], sizes = [1], strides = [1]} : vector<16xf32> to vector<1xf32>
    %squeeze3A_611 = vector.extract %slice3A_610[0] : f32 from vector<1xf32>
    %broadcast_in_dim3A_612 = vector.broadcast %squeeze3A_609 : f32 to vector<16xf32>
    %broadcast_in_dim3A_613 = vector.broadcast %squeeze3A_611 : f32 to vector<16xf32>
    %select_n3A_614 = arith.select %eq3A_607, %broadcast_in_dim3A_612, %broadcast_in_dim3A_613 : vector<16xi1>, vector<16xf32>
    %swap3A_615 = arith.constant 160 : index
    %swap3A_616 = tpu.vector_load %arg10[%swap3A_615] {strides = array<i32>} : memref<256xf32, #tpu.memory_space<vmem>>, vector<16xf32>,
    %swap3A_617 = vector.shape_cast %swap3A_616 : vector<16xf32> to vector<16xf32>
    %swap3A_618 = vector.shape_cast %select_n3A_614 : vector<16xf32> to vector<16xf32>
    tpu.vector_store %arg10[%swap3A_615], %swap3A_618 {strides = array<i32>} : memref<256xf32, #tpu.memory_space<vmem>>, vector<16xf32>,
    %mul3A_619 = arith.constant 2 : i32
    %mul3A_620 = arith.muli %arg1, %mul3A_619 : i32
    %add3A_621 = arith.constant 1 : i32
    %add3A_622 = arith.addi %mul3A_620, %add3A_621 : i32
    %dma_start3A_623 = arith.constant 2 : i32
    %dma_start3A_624 = arith.constant 160 : i32
    %dma_start3A_625 = tpu.memref_slice %arg10[%dma_start3A_624] : memref<256xf32, #tpu.memory_space<vmem>> -> memref<16xf32, #tpu.memory_space<vmem>>
    %dma_start3A_626 = tpu.memref_slice %arg5[%add3A_622, %dma_start3A_623, %mul3A_604] : memref<32x8x100000xf32, #tpu.memory_space<hbm>> -> memref<1x1x16xf32, #tpu.memory_space<hbm>>
    %dma_start3A_627 = tpu.memref_squeeze %dma_start3A_626 : memref<1x1x16xf32, #tpu.memory_space<hbm>> -> memref<16xf32, #tpu.memory_space<hbm>>
    %dma_start3A_628 = tpu.memref_slice %arg5[%add3A_622, %dma_start3A_623, %mul3A_604] : memref<32x8x100000xf32, #tpu.memory_space<hbm>> -> memref<1x1x16xf32, #tpu.memory_space<hbm>>
    %dma_start3A_629 = tpu.memref_squeeze %dma_start3A_628 : memref<1x1x16xf32, #tpu.memory_space<hbm>> -> memref<16xf32, #tpu.memory_space<hbm>>
    %dma_start3A_630 = arith.constant 160 : i32
    %dma_start3A_631 = tpu.memref_slice %arg10[%dma_start3A_630] : memref<256xf32, #tpu.memory_space<vmem>> -> memref<16xf32, #tpu.memory_space<vmem>>
    tpu.enqueue_dma source(%dma_start3A_631 : memref<16xf32, #tpu.memory_space<vmem>>) target(%dma_start3A_629 : memref<16xf32, #tpu.memory_space<hbm>>) target_semaphore(%arg11 : memref<!tpu.dma_semaphore, #tpu.memory_space<semaphore_mem>>)
    %slice3A_632 = vector.extract_strided_slice %get3A_41 {offsets = [11], sizes = [1], strides = [1]} : vector<16xi32> to vector<1xi32>
    %squeeze3A_633 = vector.extract %slice3A_632[0] : i32 from vector<1xi32>
    %jit3A_634 = arith.constant 16 : i32
    %div3A_635 = arith.divsi %squeeze3A_633, %jit3A_634 : i32
    %sign3A_636 = arith.constant 0 : i32
    %sign3A_637 = arith.cmpi sgt, %squeeze3A_633, %sign3A_636 : i32
    %sign3A_638 = arith.extui %sign3A_637 : i1 to i32
    %sign3A_639 = arith.constant 0 : i32
    %sign3A_640 = arith.cmpi slt, %squeeze3A_633, %sign3A_639 : i32
    %sign3A_641 = arith.extui %sign3A_640 : i1 to i32
    %sign3A_642 = arith.subi %sign3A_638, %sign3A_641 : i32
    %sign3A_643 = arith.constant 0 : i32
    %sign3A_644 = arith.cmpi sgt, %jit3A_634, %sign3A_643 : i32
    %sign3A_645 = arith.extui %sign3A_644 : i1 to i32
    %sign3A_646 = arith.constant 0 : i32
    %sign3A_647 = arith.cmpi slt, %jit3A_634, %sign3A_646 : i32
    %sign3A_648 = arith.extui %sign3A_647 : i1 to i32
    %sign3A_649 = arith.subi %sign3A_645, %sign3A_648 : i32
    %ne3A_650 = arith.cmpi ne, %sign3A_642, %sign3A_649 : i32
    %rem3A_651 = arith.remsi %squeeze3A_633, %jit3A_634 : i32
    %ne3A_652 = arith.constant 0 : i32
    %ne3A_653 = arith.cmpi ne, %rem3A_651, %ne3A_652 : i32
    %and3A_654 = arith.andi %ne3A_650, %ne3A_653 : i1
    %sub3A_655 = arith.constant 1 : i32
    %sub3A_656 = arith.subi %div3A_635, %sub3A_655 : i32
    %select_n3A_657 = arith.select %and3A_654, %sub3A_656, %div3A_635 : i32
    %mul3A_658 = arith.constant 16 : i32
    %mul3A_659 = arith.muli %select_n3A_657, %mul3A_658 : i32
    %sub3A_660 = arith.subi %squeeze3A_633, %mul3A_659 : i32
    %eq3A_661 = vector.broadcast %sub3A_660 : i32 to vector<16xi32>
    %eq3A_662 = arith.cmpi eq, %iota3A, %eq3A_661 : vector<16xi32>
    %slice3A_663 = vector.extract_strided_slice %get3A_38 {offsets = [11], sizes = [1], strides = [1]} : vector<16xf32> to vector<1xf32>
    %squeeze3A_664 = vector.extract %slice3A_663[0] : f32 from vector<1xf32>
    %slice3A_665 = vector.extract_strided_slice %get3A_35 {offsets = [11], sizes = [1], strides = [1]} : vector<16xf32> to vector<1xf32>
    %squeeze3A_666 = vector.extract %slice3A_665[0] : f32 from vector<1xf32>
    %broadcast_in_dim3A_667 = vector.broadcast %squeeze3A_664 : f32 to vector<16xf32>
    %broadcast_in_dim3A_668 = vector.broadcast %squeeze3A_666 : f32 to vector<16xf32>
    %select_n3A_669 = arith.select %eq3A_662, %broadcast_in_dim3A_667, %broadcast_in_dim3A_668 : vector<16xi1>, vector<16xf32>
    %swap3A_670 = arith.constant 176 : index
    %swap3A_671 = tpu.vector_load %arg10[%swap3A_670] {strides = array<i32>} : memref<256xf32, #tpu.memory_space<vmem>>, vector<16xf32>,
    %swap3A_672 = vector.shape_cast %swap3A_671 : vector<16xf32> to vector<16xf32>
    %swap3A_673 = vector.shape_cast %select_n3A_669 : vector<16xf32> to vector<16xf32>
    tpu.vector_store %arg10[%swap3A_670], %swap3A_673 {strides = array<i32>} : memref<256xf32, #tpu.memory_space<vmem>>, vector<16xf32>,
    %mul3A_674 = arith.constant 2 : i32
    %mul3A_675 = arith.muli %arg1, %mul3A_674 : i32
    %add3A_676 = arith.constant 1 : i32
    %add3A_677 = arith.addi %mul3A_675, %add3A_676 : i32
    %dma_start3A_678 = arith.constant 3 : i32
    %dma_start3A_679 = arith.constant 176 : i32
    %dma_start3A_680 = tpu.memref_slice %arg10[%dma_start3A_679] : memref<256xf32, #tpu.memory_space<vmem>> -> memref<16xf32, #tpu.memory_space<vmem>>
    %dma_start3A_681 = tpu.memref_slice %arg5[%add3A_677, %dma_start3A_678, %mul3A_659] : memref<32x8x100000xf32, #tpu.memory_space<hbm>> -> memref<1x1x16xf32, #tpu.memory_space<hbm>>
    %dma_start3A_682 = tpu.memref_squeeze %dma_start3A_681 : memref<1x1x16xf32, #tpu.memory_space<hbm>> -> memref<16xf32, #tpu.memory_space<hbm>>
    %dma_start3A_683 = tpu.memref_slice %arg5[%add3A_677, %dma_start3A_678, %mul3A_659] : memref<32x8x100000xf32, #tpu.memory_space<hbm>> -> memref<1x1x16xf32, #tpu.memory_space<hbm>>
    %dma_start3A_684 = tpu.memref_squeeze %dma_start3A_683 : memref<1x1x16xf32, #tpu.memory_space<hbm>> -> memref<16xf32, #tpu.memory_space<hbm>>
    %dma_start3A_685 = arith.constant 176 : i32
    %dma_start3A_686 = tpu.memref_slice %arg10[%dma_start3A_685] : memref<256xf32, #tpu.memory_space<vmem>> -> memref<16xf32, #tpu.memory_space<vmem>>
    tpu.enqueue_dma source(%dma_start3A_686 : memref<16xf32, #tpu.memory_space<vmem>>) target(%dma_start3A_684 : memref<16xf32, #tpu.memory_space<hbm>>) target_semaphore(%arg11 : memref<!tpu.dma_semaphore, #tpu.memory_space<semaphore_mem>>)
    %slice3A_687 = vector.extract_strided_slice %get3A_41 {offsets = [12], sizes = [1], strides = [1]} : vector<16xi32> to vector<1xi32>
    %squeeze3A_688 = vector.extract %slice3A_687[0] : i32 from vector<1xi32>
    %jit3A_689 = arith.constant 16 : i32
    %div3A_690 = arith.divsi %squeeze3A_688, %jit3A_689 : i32
    %sign3A_691 = arith.constant 0 : i32
    %sign3A_692 = arith.cmpi sgt, %squeeze3A_688, %sign3A_691 : i32
    %sign3A_693 = arith.extui %sign3A_692 : i1 to i32
    %sign3A_694 = arith.constant 0 : i32
    %sign3A_695 = arith.cmpi slt, %squeeze3A_688, %sign3A_694 : i32
    %sign3A_696 = arith.extui %sign3A_695 : i1 to i32
    %sign3A_697 = arith.subi %sign3A_693, %sign3A_696 : i32
    %sign3A_698 = arith.constant 0 : i32
    %sign3A_699 = arith.cmpi sgt, %jit3A_689, %sign3A_698 : i32
    %sign3A_700 = arith.extui %sign3A_699 : i1 to i32
    %sign3A_701 = arith.constant 0 : i32
    %sign3A_702 = arith.cmpi slt, %jit3A_689, %sign3A_701 : i32
    %sign3A_703 = arith.extui %sign3A_702 : i1 to i32
    %sign3A_704 = arith.subi %sign3A_700, %sign3A_703 : i32
    %ne3A_705 = arith.cmpi ne, %sign3A_697, %sign3A_704 : i32
    %rem3A_706 = arith.remsi %squeeze3A_688, %jit3A_689 : i32
    %ne3A_707 = arith.constant 0 : i32
    %ne3A_708 = arith.cmpi ne, %rem3A_706, %ne3A_707 : i32
    %and3A_709 = arith.andi %ne3A_705, %ne3A_708 : i1
    %sub3A_710 = arith.constant 1 : i32
    %sub3A_711 = arith.subi %div3A_690, %sub3A_710 : i32
    %select_n3A_712 = arith.select %and3A_709, %sub3A_711, %div3A_690 : i32
    %mul3A_713 = arith.constant 16 : i32
    %mul3A_714 = arith.muli %select_n3A_712, %mul3A_713 : i32
    %sub3A_715 = arith.subi %squeeze3A_688, %mul3A_714 : i32
    %eq3A_716 = vector.broadcast %sub3A_715 : i32 to vector<16xi32>
    %eq3A_717 = arith.cmpi eq, %iota3A, %eq3A_716 : vector<16xi32>
    %slice3A_718 = vector.extract_strided_slice %get3A_38 {offsets = [12], sizes = [1], strides = [1]} : vector<16xf32> to vector<1xf32>
    %squeeze3A_719 = vector.extract %slice3A_718[0] : f32 from vector<1xf32>
    %slice3A_720 = vector.extract_strided_slice %get3A_35 {offsets = [12], sizes = [1], strides = [1]} : vector<16xf32> to vector<1xf32>
    %squeeze3A_721 = vector.extract %slice3A_720[0] : f32 from vector<1xf32>
    %broadcast_in_dim3A_722 = vector.broadcast %squeeze3A_719 : f32 to vector<16xf32>
    %broadcast_in_dim3A_723 = vector.broadcast %squeeze3A_721 : f32 to vector<16xf32>
    %select_n3A_724 = arith.select %eq3A_717, %broadcast_in_dim3A_722, %broadcast_in_dim3A_723 : vector<16xi1>, vector<16xf32>
    %swap3A_725 = arith.constant 192 : index
    %swap3A_726 = tpu.vector_load %arg10[%swap3A_725] {strides = array<i32>} : memref<256xf32, #tpu.memory_space<vmem>>, vector<16xf32>,
    %swap3A_727 = vector.shape_cast %swap3A_726 : vector<16xf32> to vector<16xf32>
    %swap3A_728 = vector.shape_cast %select_n3A_724 : vector<16xf32> to vector<16xf32>
    tpu.vector_store %arg10[%swap3A_725], %swap3A_728 {strides = array<i32>} : memref<256xf32, #tpu.memory_space<vmem>>, vector<16xf32>,
    %mul3A_729 = arith.constant 2 : i32
    %mul3A_730 = arith.muli %arg1, %mul3A_729 : i32
    %add3A_731 = arith.constant 1 : i32
    %add3A_732 = arith.addi %mul3A_730, %add3A_731 : i32
    %dma_start3A_733 = arith.constant 4 : i32
    %dma_start3A_734 = arith.constant 192 : i32
    %dma_start3A_735 = tpu.memref_slice %arg10[%dma_start3A_734] : memref<256xf32, #tpu.memory_space<vmem>> -> memref<16xf32, #tpu.memory_space<vmem>>
    %dma_start3A_736 = tpu.memref_slice %arg5[%add3A_732, %dma_start3A_733, %mul3A_714] : memref<32x8x100000xf32, #tpu.memory_space<hbm>> -> memref<1x1x16xf32, #tpu.memory_space<hbm>>
    %dma_start3A_737 = tpu.memref_squeeze %dma_start3A_736 : memref<1x1x16xf32, #tpu.memory_space<hbm>> -> memref<16xf32, #tpu.memory_space<hbm>>
    %dma_start3A_738 = tpu.memref_slice %arg5[%add3A_732, %dma_start3A_733, %mul3A_714] : memref<32x8x100000xf32, #tpu.memory_space<hbm>> -> memref<1x1x16xf32, #tpu.memory_space<hbm>>
    %dma_start3A_739 = tpu.memref_squeeze %dma_start3A_738 : memref<1x1x16xf32, #tpu.memory_space<hbm>> -> memref<16xf32, #tpu.memory_space<hbm>>
    %dma_start3A_740 = arith.constant 192 : i32
    %dma_start3A_741 = tpu.memref_slice %arg10[%dma_start3A_740] : memref<256xf32, #tpu.memory_space<vmem>> -> memref<16xf32, #tpu.memory_space<vmem>>
    tpu.enqueue_dma source(%dma_start3A_741 : memref<16xf32, #tpu.memory_space<vmem>>) target(%dma_start3A_739 : memref<16xf32, #tpu.memory_space<hbm>>) target_semaphore(%arg11 : memref<!tpu.dma_semaphore, #tpu.memory_space<semaphore_mem>>)
    %slice3A_742 = vector.extract_strided_slice %get3A_41 {offsets = [13], sizes = [1], strides = [1]} : vector<16xi32> to vector<1xi32>
    %squeeze3A_743 = vector.extract %slice3A_742[0] : i32 from vector<1xi32>
    %jit3A_744 = arith.constant 16 : i32
    %div3A_745 = arith.divsi %squeeze3A_743, %jit3A_744 : i32
    %sign3A_746 = arith.constant 0 : i32
    %sign3A_747 = arith.cmpi sgt, %squeeze3A_743, %sign3A_746 : i32
    %sign3A_748 = arith.extui %sign3A_747 : i1 to i32
    %sign3A_749 = arith.constant 0 : i32
    %sign3A_750 = arith.cmpi slt, %squeeze3A_743, %sign3A_749 : i32
    %sign3A_751 = arith.extui %sign3A_750 : i1 to i32
    %sign3A_752 = arith.subi %sign3A_748, %sign3A_751 : i32
    %sign3A_753 = arith.constant 0 : i32
    %sign3A_754 = arith.cmpi sgt, %jit3A_744, %sign3A_753 : i32
    %sign3A_755 = arith.extui %sign3A_754 : i1 to i32
    %sign3A_756 = arith.constant 0 : i32
    %sign3A_757 = arith.cmpi slt, %jit3A_744, %sign3A_756 : i32
    %sign3A_758 = arith.extui %sign3A_757 : i1 to i32
    %sign3A_759 = arith.subi %sign3A_755, %sign3A_758 : i32
    %ne3A_760 = arith.cmpi ne, %sign3A_752, %sign3A_759 : i32
    %rem3A_761 = arith.remsi %squeeze3A_743, %jit3A_744 : i32
    %ne3A_762 = arith.constant 0 : i32
    %ne3A_763 = arith.cmpi ne, %rem3A_761, %ne3A_762 : i32
    %and3A_764 = arith.andi %ne3A_760, %ne3A_763 : i1
    %sub3A_765 = arith.constant 1 : i32
    %sub3A_766 = arith.subi %div3A_745, %sub3A_765 : i32
    %select_n3A_767 = arith.select %and3A_764, %sub3A_766, %div3A_745 : i32
    %mul3A_768 = arith.constant 16 : i32
    %mul3A_769 = arith.muli %select_n3A_767, %mul3A_768 : i32
    %sub3A_770 = arith.subi %squeeze3A_743, %mul3A_769 : i32
    %eq3A_771 = vector.broadcast %sub3A_770 : i32 to vector<16xi32>
    %eq3A_772 = arith.cmpi eq, %iota3A, %eq3A_771 : vector<16xi32>
    %slice3A_773 = vector.extract_strided_slice %get3A_38 {offsets = [13], sizes = [1], strides = [1]} : vector<16xf32> to vector<1xf32>
    %squeeze3A_774 = vector.extract %slice3A_773[0] : f32 from vector<1xf32>
    %slice3A_775 = vector.extract_strided_slice %get3A_35 {offsets = [13], sizes = [1], strides = [1]} : vector<16xf32> to vector<1xf32>
    %squeeze3A_776 = vector.extract %slice3A_775[0] : f32 from vector<1xf32>
    %broadcast_in_dim3A_777 = vector.broadcast %squeeze3A_774 : f32 to vector<16xf32>
    %broadcast_in_dim3A_778 = vector.broadcast %squeeze3A_776 : f32 to vector<16xf32>
    %select_n3A_779 = arith.select %eq3A_772, %broadcast_in_dim3A_777, %broadcast_in_dim3A_778 : vector<16xi1>, vector<16xf32>
    %swap3A_780 = arith.constant 208 : index
    %swap3A_781 = tpu.vector_load %arg10[%swap3A_780] {strides = array<i32>} : memref<256xf32, #tpu.memory_space<vmem>>, vector<16xf32>,
    %swap3A_782 = vector.shape_cast %swap3A_781 : vector<16xf32> to vector<16xf32>
    %swap3A_783 = vector.shape_cast %select_n3A_779 : vector<16xf32> to vector<16xf32>
    tpu.vector_store %arg10[%swap3A_780], %swap3A_783 {strides = array<i32>} : memref<256xf32, #tpu.memory_space<vmem>>, vector<16xf32>,
    %mul3A_784 = arith.constant 2 : i32
    %mul3A_785 = arith.muli %arg1, %mul3A_784 : i32
    %add3A_786 = arith.constant 1 : i32
    %add3A_787 = arith.addi %mul3A_785, %add3A_786 : i32
    %dma_start3A_788 = arith.constant 5 : i32
    %dma_start3A_789 = arith.constant 208 : i32
    %dma_start3A_790 = tpu.memref_slice %arg10[%dma_start3A_789] : memref<256xf32, #tpu.memory_space<vmem>> -> memref<16xf32, #tpu.memory_space<vmem>>
    %dma_start3A_791 = tpu.memref_slice %arg5[%add3A_787, %dma_start3A_788, %mul3A_769] : memref<32x8x100000xf32, #tpu.memory_space<hbm>> -> memref<1x1x16xf32, #tpu.memory_space<hbm>>
    %dma_start3A_792 = tpu.memref_squeeze %dma_start3A_791 : memref<1x1x16xf32, #tpu.memory_space<hbm>> -> memref<16xf32, #tpu.memory_space<hbm>>
    %dma_start3A_793 = tpu.memref_slice %arg5[%add3A_787, %dma_start3A_788, %mul3A_769] : memref<32x8x100000xf32, #tpu.memory_space<hbm>> -> memref<1x1x16xf32, #tpu.memory_space<hbm>>
    %dma_start3A_794 = tpu.memref_squeeze %dma_start3A_793 : memref<1x1x16xf32, #tpu.memory_space<hbm>> -> memref<16xf32, #tpu.memory_space<hbm>>
    %dma_start3A_795 = arith.constant 208 : i32
    %dma_start3A_796 = tpu.memref_slice %arg10[%dma_start3A_795] : memref<256xf32, #tpu.memory_space<vmem>> -> memref<16xf32, #tpu.memory_space<vmem>>
    tpu.enqueue_dma source(%dma_start3A_796 : memref<16xf32, #tpu.memory_space<vmem>>) target(%dma_start3A_794 : memref<16xf32, #tpu.memory_space<hbm>>) target_semaphore(%arg11 : memref<!tpu.dma_semaphore, #tpu.memory_space<semaphore_mem>>)
    %slice3A_797 = vector.extract_strided_slice %get3A_41 {offsets = [14], sizes = [1], strides = [1]} : vector<16xi32> to vector<1xi32>
    %squeeze3A_798 = vector.extract %slice3A_797[0] : i32 from vector<1xi32>
    %jit3A_799 = arith.constant 16 : i32
    %div3A_800 = arith.divsi %squeeze3A_798, %jit3A_799 : i32
    %sign3A_801 = arith.constant 0 : i32
    %sign3A_802 = arith.cmpi sgt, %squeeze3A_798, %sign3A_801 : i32
    %sign3A_803 = arith.extui %sign3A_802 : i1 to i32
    %sign3A_804 = arith.constant 0 : i32
    %sign3A_805 = arith.cmpi slt, %squeeze3A_798, %sign3A_804 : i32
    %sign3A_806 = arith.extui %sign3A_805 : i1 to i32
    %sign3A_807 = arith.subi %sign3A_803, %sign3A_806 : i32
    %sign3A_808 = arith.constant 0 : i32
    %sign3A_809 = arith.cmpi sgt, %jit3A_799, %sign3A_808 : i32
    %sign3A_810 = arith.extui %sign3A_809 : i1 to i32
    %sign3A_811 = arith.constant 0 : i32
    %sign3A_812 = arith.cmpi slt, %jit3A_799, %sign3A_811 : i32
    %sign3A_813 = arith.extui %sign3A_812 : i1 to i32
    %sign3A_814 = arith.subi %sign3A_810, %sign3A_813 : i32
    %ne3A_815 = arith.cmpi ne, %sign3A_807, %sign3A_814 : i32
    %rem3A_816 = arith.remsi %squeeze3A_798, %jit3A_799 : i32
    %ne3A_817 = arith.constant 0 : i32
    %ne3A_818 = arith.cmpi ne, %rem3A_816, %ne3A_817 : i32
    %and3A_819 = arith.andi %ne3A_815, %ne3A_818 : i1
    %sub3A_820 = arith.constant 1 : i32
    %sub3A_821 = arith.subi %div3A_800, %sub3A_820 : i32
    %select_n3A_822 = arith.select %and3A_819, %sub3A_821, %div3A_800 : i32
    %mul3A_823 = arith.constant 16 : i32
    %mul3A_824 = arith.muli %select_n3A_822, %mul3A_823 : i32
    %sub3A_825 = arith.subi %squeeze3A_798, %mul3A_824 : i32
    %eq3A_826 = vector.broadcast %sub3A_825 : i32 to vector<16xi32>
    %eq3A_827 = arith.cmpi eq, %iota3A, %eq3A_826 : vector<16xi32>
    %slice3A_828 = vector.extract_strided_slice %get3A_38 {offsets = [14], sizes = [1], strides = [1]} : vector<16xf32> to vector<1xf32>
    %squeeze3A_829 = vector.extract %slice3A_828[0] : f32 from vector<1xf32>
    %slice3A_830 = vector.extract_strided_slice %get3A_35 {offsets = [14], sizes = [1], strides = [1]} : vector<16xf32> to vector<1xf32>
    %squeeze3A_831 = vector.extract %slice3A_830[0] : f32 from vector<1xf32>
    %broadcast_in_dim3A_832 = vector.broadcast %squeeze3A_829 : f32 to vector<16xf32>
    %broadcast_in_dim3A_833 = vector.broadcast %squeeze3A_831 : f32 to vector<16xf32>
    %select_n3A_834 = arith.select %eq3A_827, %broadcast_in_dim3A_832, %broadcast_in_dim3A_833 : vector<16xi1>, vector<16xf32>
    %swap3A_835 = arith.constant 224 : index
    %swap3A_836 = tpu.vector_load %arg10[%swap3A_835] {strides = array<i32>} : memref<256xf32, #tpu.memory_space<vmem>>, vector<16xf32>,
    %swap3A_837 = vector.shape_cast %swap3A_836 : vector<16xf32> to vector<16xf32>
    %swap3A_838 = vector.shape_cast %select_n3A_834 : vector<16xf32> to vector<16xf32>
    tpu.vector_store %arg10[%swap3A_835], %swap3A_838 {strides = array<i32>} : memref<256xf32, #tpu.memory_space<vmem>>, vector<16xf32>,
    %mul3A_839 = arith.constant 2 : i32
    %mul3A_840 = arith.muli %arg1, %mul3A_839 : i32
    %add3A_841 = arith.constant 1 : i32
    %add3A_842 = arith.addi %mul3A_840, %add3A_841 : i32
    %dma_start3A_843 = arith.constant 6 : i32
    %dma_start3A_844 = arith.constant 224 : i32
    %dma_start3A_845 = tpu.memref_slice %arg10[%dma_start3A_844] : memref<256xf32, #tpu.memory_space<vmem>> -> memref<16xf32, #tpu.memory_space<vmem>>
    %dma_start3A_846 = tpu.memref_slice %arg5[%add3A_842, %dma_start3A_843, %mul3A_824] : memref<32x8x100000xf32, #tpu.memory_space<hbm>> -> memref<1x1x16xf32, #tpu.memory_space<hbm>>
    %dma_start3A_847 = tpu.memref_squeeze %dma_start3A_846 : memref<1x1x16xf32, #tpu.memory_space<hbm>> -> memref<16xf32, #tpu.memory_space<hbm>>
    %dma_start3A_848 = tpu.memref_slice %arg5[%add3A_842, %dma_start3A_843, %mul3A_824] : memref<32x8x100000xf32, #tpu.memory_space<hbm>> -> memref<1x1x16xf32, #tpu.memory_space<hbm>>
    %dma_start3A_849 = tpu.memref_squeeze %dma_start3A_848 : memref<1x1x16xf32, #tpu.memory_space<hbm>> -> memref<16xf32, #tpu.memory_space<hbm>>
    %dma_start3A_850 = arith.constant 224 : i32
    %dma_start3A_851 = tpu.memref_slice %arg10[%dma_start3A_850] : memref<256xf32, #tpu.memory_space<vmem>> -> memref<16xf32, #tpu.memory_space<vmem>>
    tpu.enqueue_dma source(%dma_start3A_851 : memref<16xf32, #tpu.memory_space<vmem>>) target(%dma_start3A_849 : memref<16xf32, #tpu.memory_space<hbm>>) target_semaphore(%arg11 : memref<!tpu.dma_semaphore, #tpu.memory_space<semaphore_mem>>)
    %slice3A_852 = vector.extract_strided_slice %get3A_41 {offsets = [15], sizes = [1], strides = [1]} : vector<16xi32> to vector<1xi32>
    %squeeze3A_853 = vector.extract %slice3A_852[0] : i32 from vector<1xi32>
    %jit3A_854 = arith.constant 16 : i32
    %div3A_855 = arith.divsi %squeeze3A_853, %jit3A_854 : i32
    %sign3A_856 = arith.constant 0 : i32
    %sign3A_857 = arith.cmpi sgt, %squeeze3A_853, %sign3A_856 : i32
    %sign3A_858 = arith.extui %sign3A_857 : i1 to i32
    %sign3A_859 = arith.constant 0 : i32
    %sign3A_860 = arith.cmpi slt, %squeeze3A_853, %sign3A_859 : i32
    %sign3A_861 = arith.extui %sign3A_860 : i1 to i32
    %sign3A_862 = arith.subi %sign3A_858, %sign3A_861 : i32
    %sign3A_863 = arith.constant 0 : i32
    %sign3A_864 = arith.cmpi sgt, %jit3A_854, %sign3A_863 : i32
    %sign3A_865 = arith.extui %sign3A_864 : i1 to i32
    %sign3A_866 = arith.constant 0 : i32
    %sign3A_867 = arith.cmpi slt, %jit3A_854, %sign3A_866 : i32
    %sign3A_868 = arith.extui %sign3A_867 : i1 to i32
    %sign3A_869 = arith.subi %sign3A_865, %sign3A_868 : i32
    %ne3A_870 = arith.cmpi ne, %sign3A_862, %sign3A_869 : i32
    %rem3A_871 = arith.remsi %squeeze3A_853, %jit3A_854 : i32
    %ne3A_872 = arith.constant 0 : i32
    %ne3A_873 = arith.cmpi ne, %rem3A_871, %ne3A_872 : i32
    %and3A_874 = arith.andi %ne3A_870, %ne3A_873 : i1
    %sub3A_875 = arith.constant 1 : i32
    %sub3A_876 = arith.subi %div3A_855, %sub3A_875 : i32
    %select_n3A_877 = arith.select %and3A_874, %sub3A_876, %div3A_855 : i32
    %mul3A_878 = arith.constant 16 : i32
    %mul3A_879 = arith.muli %select_n3A_877, %mul3A_878 : i32
    %sub3A_880 = arith.subi %squeeze3A_853, %mul3A_879 : i32
    %eq3A_881 = vector.broadcast %sub3A_880 : i32 to vector<16xi32>
    %eq3A_882 = arith.cmpi eq, %iota3A, %eq3A_881 : vector<16xi32>
    %slice3A_883 = vector.extract_strided_slice %get3A_38 {offsets = [15], sizes = [1], strides = [1]} : vector<16xf32> to vector<1xf32>
    %squeeze3A_884 = vector.extract %slice3A_883[0] : f32 from vector<1xf32>
    %slice3A_885 = vector.extract_strided_slice %get3A_35 {offsets = [15], sizes = [1], strides = [1]} : vector<16xf32> to vector<1xf32>
    %squeeze3A_886 = vector.extract %slice3A_885[0] : f32 from vector<1xf32>
    %broadcast_in_dim3A_887 = vector.broadcast %squeeze3A_884 : f32 to vector<16xf32>
    %broadcast_in_dim3A_888 = vector.broadcast %squeeze3A_886 : f32 to vector<16xf32>
    %select_n3A_889 = arith.select %eq3A_882, %broadcast_in_dim3A_887, %broadcast_in_dim3A_888 : vector<16xi1>, vector<16xf32>
    %swap3A_890 = arith.constant 240 : index
    %swap3A_891 = tpu.vector_load %arg10[%swap3A_890] {strides = array<i32>} : memref<256xf32, #tpu.memory_space<vmem>>, vector<16xf32>,
    %swap3A_892 = vector.shape_cast %swap3A_891 : vector<16xf32> to vector<16xf32>
    %swap3A_893 = vector.shape_cast %select_n3A_889 : vector<16xf32> to vector<16xf32>
    tpu.vector_store %arg10[%swap3A_890], %swap3A_893 {strides = array<i32>} : memref<256xf32, #tpu.memory_space<vmem>>, vector<16xf32>,
    %mul3A_894 = arith.constant 2 : i32
    %mul3A_895 = arith.muli %arg1, %mul3A_894 : i32
    %add3A_896 = arith.constant 1 : i32
    %add3A_897 = arith.addi %mul3A_895, %add3A_896 : i32
    %dma_start3A_898 = arith.constant 7 : i32
    %dma_start3A_899 = arith.constant 240 : i32
    %dma_start3A_900 = tpu.memref_slice %arg10[%dma_start3A_899] : memref<256xf32, #tpu.memory_space<vmem>> -> memref<16xf32, #tpu.memory_space<vmem>>
    %dma_start3A_901 = tpu.memref_slice %arg5[%add3A_897, %dma_start3A_898, %mul3A_879] : memref<32x8x100000xf32, #tpu.memory_space<hbm>> -> memref<1x1x16xf32, #tpu.memory_space<hbm>>
    %dma_start3A_902 = tpu.memref_squeeze %dma_start3A_901 : memref<1x1x16xf32, #tpu.memory_space<hbm>> -> memref<16xf32, #tpu.memory_space<hbm>>
    %dma_start3A_903 = tpu.memref_slice %arg5[%add3A_897, %dma_start3A_898, %mul3A_879] : memref<32x8x100000xf32, #tpu.memory_space<hbm>> -> memref<1x1x16xf32, #tpu.memory_space<hbm>>
    %dma_start3A_904 = tpu.memref_squeeze %dma_start3A_903 : memref<1x1x16xf32, #tpu.memory_space<hbm>> -> memref<16xf32, #tpu.memory_space<hbm>>
    %dma_start3A_905 = arith.constant 240 : i32
    %dma_start3A_906 = tpu.memref_slice %arg10[%dma_start3A_905] : memref<256xf32, #tpu.memory_space<vmem>> -> memref<16xf32, #tpu.memory_space<vmem>>
    tpu.enqueue_dma source(%dma_start3A_906 : memref<16xf32, #tpu.memory_space<vmem>>) target(%dma_start3A_904 : memref<16xf32, #tpu.memory_space<hbm>>) target_semaphore(%arg11 : memref<!tpu.dma_semaphore, #tpu.memory_space<semaphore_mem>>)
    %dma_wait3A_907 = arith.constant 0 : i32
    %dma_wait3A_908 = arith.constant 0 : i32
    %dma_wait3A_909 = tpu.memref_slice %arg10[%dma_wait3A_908] : memref<256xf32, #tpu.memory_space<vmem>> -> memref<16xf32, #tpu.memory_space<vmem>>
    %dma_wait3A_910 = tpu.memref_slice %arg5[%add3A_72, %dma_wait3A_907, %mul3A_58] : memref<32x8x100000xf32, #tpu.memory_space<hbm>> -> memref<1x1x16xf32, #tpu.memory_space<hbm>>
    %dma_wait3A_911 = tpu.memref_squeeze %dma_wait3A_910 : memref<1x1x16xf32, #tpu.memory_space<hbm>> -> memref<16xf32, #tpu.memory_space<hbm>>
    %dma_wait3A_912 = tpu.memref_slice %arg5[%add3A_72, %dma_wait3A_907, %mul3A_58] : memref<32x8x100000xf32, #tpu.memory_space<hbm>> -> memref<1x1x16xf32, #tpu.memory_space<hbm>>
    %dma_wait3A_913 = tpu.memref_squeeze %dma_wait3A_912 : memref<1x1x16xf32, #tpu.memory_space<hbm>> -> memref<16xf32, #tpu.memory_space<hbm>>
    %dma_wait3A_914 = arith.constant 0 : i32
    %dma_wait3A_915 = tpu.memref_slice %arg10[%dma_wait3A_914] : memref<256xf32, #tpu.memory_space<vmem>> -> memref<16xf32, #tpu.memory_space<vmem>>
    tpu.wait_dma2 semaphore(%arg11 : memref<!tpu.dma_semaphore, #tpu.memory_space<semaphore_mem>>) src(%dma_wait3A_915 : memref<16xf32, #tpu.memory_space<vmem>>) dst(%dma_wait3A_913 : memref<16xf32, #tpu.memory_space<hbm>>)
    %dma_wait3A_916 = arith.constant 1 : i32
    %dma_wait3A_917 = arith.constant 16 : i32
    %dma_wait3A_918 = tpu.memref_slice %arg10[%dma_wait3A_917] : memref<256xf32, #tpu.memory_space<vmem>> -> memref<16xf32, #tpu.memory_space<vmem>>
    %dma_wait3A_919 = tpu.memref_slice %arg5[%add3A_127, %dma_wait3A_916, %mul3A_109] : memref<32x8x100000xf32, #tpu.memory_space<hbm>> -> memref<1x1x16xf32, #tpu.memory_space<hbm>>
    %dma_wait3A_920 = tpu.memref_squeeze %dma_wait3A_919 : memref<1x1x16xf32, #tpu.memory_space<hbm>> -> memref<16xf32, #tpu.memory_space<hbm>>
    %dma_wait3A_921 = tpu.memref_slice %arg5[%add3A_127, %dma_wait3A_916, %mul3A_109] : memref<32x8x100000xf32, #tpu.memory_space<hbm>> -> memref<1x1x16xf32, #tpu.memory_space<hbm>>
    %dma_wait3A_922 = tpu.memref_squeeze %dma_wait3A_921 : memref<1x1x16xf32, #tpu.memory_space<hbm>> -> memref<16xf32, #tpu.memory_space<hbm>>
    %dma_wait3A_923 = arith.constant 16 : i32
    %dma_wait3A_924 = tpu.memref_slice %arg10[%dma_wait3A_923] : memref<256xf32, #tpu.memory_space<vmem>> -> memref<16xf32, #tpu.memory_space<vmem>>
    tpu.wait_dma2 semaphore(%arg11 : memref<!tpu.dma_semaphore, #tpu.memory_space<semaphore_mem>>) src(%dma_wait3A_924 : memref<16xf32, #tpu.memory_space<vmem>>) dst(%dma_wait3A_922 : memref<16xf32, #tpu.memory_space<hbm>>)
    %dma_wait3A_925 = arith.constant 2 : i32
    %dma_wait3A_926 = arith.constant 32 : i32
    %dma_wait3A_927 = tpu.memref_slice %arg10[%dma_wait3A_926] : memref<256xf32, #tpu.memory_space<vmem>> -> memref<16xf32, #tpu.memory_space<vmem>>
    %dma_wait3A_928 = tpu.memref_slice %arg5[%add3A_182, %dma_wait3A_925, %mul3A_164] : memref<32x8x100000xf32, #tpu.memory_space<hbm>> -> memref<1x1x16xf32, #tpu.memory_space<hbm>>
    %dma_wait3A_929 = tpu.memref_squeeze %dma_wait3A_928 : memref<1x1x16xf32, #tpu.memory_space<hbm>> -> memref<16xf32, #tpu.memory_space<hbm>>
    %dma_wait3A_930 = tpu.memref_slice %arg5[%add3A_182, %dma_wait3A_925, %mul3A_164] : memref<32x8x100000xf32, #tpu.memory_space<hbm>> -> memref<1x1x16xf32, #tpu.memory_space<hbm>>
    %dma_wait3A_931 = tpu.memref_squeeze %dma_wait3A_930 : memref<1x1x16xf32, #tpu.memory_space<hbm>> -> memref<16xf32, #tpu.memory_space<hbm>>
    %dma_wait3A_932 = arith.constant 32 : i32
    %dma_wait3A_933 = tpu.memref_slice %arg10[%dma_wait3A_932] : memref<256xf32, #tpu.memory_space<vmem>> -> memref<16xf32, #tpu.memory_space<vmem>>
    tpu.wait_dma2 semaphore(%arg11 : memref<!tpu.dma_semaphore, #tpu.memory_space<semaphore_mem>>) src(%dma_wait3A_933 : memref<16xf32, #tpu.memory_space<vmem>>) dst(%dma_wait3A_931 : memref<16xf32, #tpu.memory_space<hbm>>)
    %dma_wait3A_934 = arith.constant 3 : i32
    %dma_wait3A_935 = arith.constant 48 : i32
    %dma_wait3A_936 = tpu.memref_slice %arg10[%dma_wait3A_935] : memref<256xf32, #tpu.memory_space<vmem>> -> memref<16xf32, #tpu.memory_space<vmem>>
    %dma_wait3A_937 = tpu.memref_slice %arg5[%add3A_237, %dma_wait3A_934, %mul3A_219] : memref<32x8x100000xf32, #tpu.memory_space<hbm>> -> memref<1x1x16xf32, #tpu.memory_space<hbm>>
    %dma_wait3A_938 = tpu.memref_squeeze %dma_wait3A_937 : memref<1x1x16xf32, #tpu.memory_space<hbm>> -> memref<16xf32, #tpu.memory_space<hbm>>
    %dma_wait3A_939 = tpu.memref_slice %arg5[%add3A_237, %dma_wait3A_934, %mul3A_219] : memref<32x8x100000xf32, #tpu.memory_space<hbm>> -> memref<1x1x16xf32, #tpu.memory_space<hbm>>
    %dma_wait3A_940 = tpu.memref_squeeze %dma_wait3A_939 : memref<1x1x16xf32, #tpu.memory_space<hbm>> -> memref<16xf32, #tpu.memory_space<hbm>>
    %dma_wait3A_941 = arith.constant 48 : i32
    %dma_wait3A_942 = tpu.memref_slice %arg10[%dma_wait3A_941] : memref<256xf32, #tpu.memory_space<vmem>> -> memref<16xf32, #tpu.memory_space<vmem>>
    tpu.wait_dma2 semaphore(%arg11 : memref<!tpu.dma_semaphore, #tpu.memory_space<semaphore_mem>>) src(%dma_wait3A_942 : memref<16xf32, #tpu.memory_space<vmem>>) dst(%dma_wait3A_940 : memref<16xf32, #tpu.memory_space<hbm>>)
    %dma_wait3A_943 = arith.constant 4 : i32
    %dma_wait3A_944 = arith.constant 64 : i32
    %dma_wait3A_945 = tpu.memref_slice %arg10[%dma_wait3A_944] : memref<256xf32, #tpu.memory_space<vmem>> -> memref<16xf32, #tpu.memory_space<vmem>>
    %dma_wait3A_946 = tpu.memref_slice %arg5[%add3A_292, %dma_wait3A_943, %mul3A_274] : memref<32x8x100000xf32, #tpu.memory_space<hbm>> -> memref<1x1x16xf32, #tpu.memory_space<hbm>>
    %dma_wait3A_947 = tpu.memref_squeeze %dma_wait3A_946 : memref<1x1x16xf32, #tpu.memory_space<hbm>> -> memref<16xf32, #tpu.memory_space<hbm>>
    %dma_wait3A_948 = tpu.memref_slice %arg5[%add3A_292, %dma_wait3A_943, %mul3A_274] : memref<32x8x100000xf32, #tpu.memory_space<hbm>> -> memref<1x1x16xf32, #tpu.memory_space<hbm>>
    %dma_wait3A_949 = tpu.memref_squeeze %dma_wait3A_948 : memref<1x1x16xf32, #tpu.memory_space<hbm>> -> memref<16xf32, #tpu.memory_space<hbm>>
    %dma_wait3A_950 = arith.constant 64 : i32
    %dma_wait3A_951 = tpu.memref_slice %arg10[%dma_wait3A_950] : memref<256xf32, #tpu.memory_space<vmem>> -> memref<16xf32, #tpu.memory_space<vmem>>
    tpu.wait_dma2 semaphore(%arg11 : memref<!tpu.dma_semaphore, #tpu.memory_space<semaphore_mem>>) src(%dma_wait3A_951 : memref<16xf32, #tpu.memory_space<vmem>>) dst(%dma_wait3A_949 : memref<16xf32, #tpu.memory_space<hbm>>)
    %dma_wait3A_952 = arith.constant 5 : i32
    %dma_wait3A_953 = arith.constant 80 : i32
    %dma_wait3A_954 = tpu.memref_slice %arg10[%dma_wait3A_953] : memref<256xf32, #tpu.memory_space<vmem>> -> memref<16xf32, #tpu.memory_space<vmem>>
    %dma_wait3A_955 = tpu.memref_slice %arg5[%add3A_347, %dma_wait3A_952, %mul3A_329] : memref<32x8x100000xf32, #tpu.memory_space<hbm>> -> memref<1x1x16xf32, #tpu.memory_space<hbm>>
    %dma_wait3A_956 = tpu.memref_squeeze %dma_wait3A_955 : memref<1x1x16xf32, #tpu.memory_space<hbm>> -> memref<16xf32, #tpu.memory_space<hbm>>
    %dma_wait3A_957 = tpu.memref_slice %arg5[%add3A_347, %dma_wait3A_952, %mul3A_329] : memref<32x8x100000xf32, #tpu.memory_space<hbm>> -> memref<1x1x16xf32, #tpu.memory_space<hbm>>
    %dma_wait3A_958 = tpu.memref_squeeze %dma_wait3A_957 : memref<1x1x16xf32, #tpu.memory_space<hbm>> -> memref<16xf32, #tpu.memory_space<hbm>>
    %dma_wait3A_959 = arith.constant 80 : i32
    %dma_wait3A_960 = tpu.memref_slice %arg10[%dma_wait3A_959] : memref<256xf32, #tpu.memory_space<vmem>> -> memref<16xf32, #tpu.memory_space<vmem>>
    tpu.wait_dma2 semaphore(%arg11 : memref<!tpu.dma_semaphore, #tpu.memory_space<semaphore_mem>>) src(%dma_wait3A_960 : memref<16xf32, #tpu.memory_space<vmem>>) dst(%dma_wait3A_958 : memref<16xf32, #tpu.memory_space<hbm>>)
    %dma_wait3A_961 = arith.constant 6 : i32
    %dma_wait3A_962 = arith.constant 96 : i32
    %dma_wait3A_963 = tpu.memref_slice %arg10[%dma_wait3A_962] : memref<256xf32, #tpu.memory_space<vmem>> -> memref<16xf32, #tpu.memory_space<vmem>>
    %dma_wait3A_964 = tpu.memref_slice %arg5[%add3A_402, %dma_wait3A_961, %mul3A_384] : memref<32x8x100000xf32, #tpu.memory_space<hbm>> -> memref<1x1x16xf32, #tpu.memory_space<hbm>>
    %dma_wait3A_965 = tpu.memref_squeeze %dma_wait3A_964 : memref<1x1x16xf32, #tpu.memory_space<hbm>> -> memref<16xf32, #tpu.memory_space<hbm>>
    %dma_wait3A_966 = tpu.memref_slice %arg5[%add3A_402, %dma_wait3A_961, %mul3A_384] : memref<32x8x100000xf32, #tpu.memory_space<hbm>> -> memref<1x1x16xf32, #tpu.memory_space<hbm>>
    %dma_wait3A_967 = tpu.memref_squeeze %dma_wait3A_966 : memref<1x1x16xf32, #tpu.memory_space<hbm>> -> memref<16xf32, #tpu.memory_space<hbm>>
    %dma_wait3A_968 = arith.constant 96 : i32
    %dma_wait3A_969 = tpu.memref_slice %arg10[%dma_wait3A_968] : memref<256xf32, #tpu.memory_space<vmem>> -> memref<16xf32, #tpu.memory_space<vmem>>
    tpu.wait_dma2 semaphore(%arg11 : memref<!tpu.dma_semaphore, #tpu.memory_space<semaphore_mem>>) src(%dma_wait3A_969 : memref<16xf32, #tpu.memory_space<vmem>>) dst(%dma_wait3A_967 : memref<16xf32, #tpu.memory_space<hbm>>)
    %dma_wait3A_970 = arith.constant 7 : i32
    %dma_wait3A_971 = arith.constant 112 : i32
    %dma_wait3A_972 = tpu.memref_slice %arg10[%dma_wait3A_971] : memref<256xf32, #tpu.memory_space<vmem>> -> memref<16xf32, #tpu.memory_space<vmem>>
    %dma_wait3A_973 = tpu.memref_slice %arg5[%add3A_457, %dma_wait3A_970, %mul3A_439] : memref<32x8x100000xf32, #tpu.memory_space<hbm>> -> memref<1x1x16xf32, #tpu.memory_space<hbm>>
    %dma_wait3A_974 = tpu.memref_squeeze %dma_wait3A_973 : memref<1x1x16xf32, #tpu.memory_space<hbm>> -> memref<16xf32, #tpu.memory_space<hbm>>
    %dma_wait3A_975 = tpu.memref_slice %arg5[%add3A_457, %dma_wait3A_970, %mul3A_439] : memref<32x8x100000xf32, #tpu.memory_space<hbm>> -> memref<1x1x16xf32, #tpu.memory_space<hbm>>
    %dma_wait3A_976 = tpu.memref_squeeze %dma_wait3A_975 : memref<1x1x16xf32, #tpu.memory_space<hbm>> -> memref<16xf32, #tpu.memory_space<hbm>>
    %dma_wait3A_977 = arith.constant 112 : i32
    %dma_wait3A_978 = tpu.memref_slice %arg10[%dma_wait3A_977] : memref<256xf32, #tpu.memory_space<vmem>> -> memref<16xf32, #tpu.memory_space<vmem>>
    tpu.wait_dma2 semaphore(%arg11 : memref<!tpu.dma_semaphore, #tpu.memory_space<semaphore_mem>>) src(%dma_wait3A_978 : memref<16xf32, #tpu.memory_space<vmem>>) dst(%dma_wait3A_976 : memref<16xf32, #tpu.memory_space<hbm>>)
    %dma_wait3A_979 = arith.constant 0 : i32
    %dma_wait3A_980 = arith.constant 128 : i32
    %dma_wait3A_981 = tpu.memref_slice %arg10[%dma_wait3A_980] : memref<256xf32, #tpu.memory_space<vmem>> -> memref<16xf32, #tpu.memory_space<vmem>>
    %dma_wait3A_982 = tpu.memref_slice %arg5[%add3A_512, %dma_wait3A_979, %mul3A_494] : memref<32x8x100000xf32, #tpu.memory_space<hbm>> -> memref<1x1x16xf32, #tpu.memory_space<hbm>>
    %dma_wait3A_983 = tpu.memref_squeeze %dma_wait3A_982 : memref<1x1x16xf32, #tpu.memory_space<hbm>> -> memref<16xf32, #tpu.memory_space<hbm>>
    %dma_wait3A_984 = tpu.memref_slice %arg5[%add3A_512, %dma_wait3A_979, %mul3A_494] : memref<32x8x100000xf32, #tpu.memory_space<hbm>> -> memref<1x1x16xf32, #tpu.memory_space<hbm>>
    %dma_wait3A_985 = tpu.memref_squeeze %dma_wait3A_984 : memref<1x1x16xf32, #tpu.memory_space<hbm>> -> memref<16xf32, #tpu.memory_space<hbm>>
    %dma_wait3A_986 = arith.constant 128 : i32
    %dma_wait3A_987 = tpu.memref_slice %arg10[%dma_wait3A_986] : memref<256xf32, #tpu.memory_space<vmem>> -> memref<16xf32, #tpu.memory_space<vmem>>
    tpu.wait_dma2 semaphore(%arg11 : memref<!tpu.dma_semaphore, #tpu.memory_space<semaphore_mem>>) src(%dma_wait3A_987 : memref<16xf32, #tpu.memory_space<vmem>>) dst(%dma_wait3A_985 : memref<16xf32, #tpu.memory_space<hbm>>)
    %dma_wait3A_988 = arith.constant 1 : i32
    %dma_wait3A_989 = arith.constant 144 : i32
    %dma_wait3A_990 = tpu.memref_slice %arg10[%dma_wait3A_989] : memref<256xf32, #tpu.memory_space<vmem>> -> memref<16xf32, #tpu.memory_space<vmem>>
    %dma_wait3A_991 = tpu.memref_slice %arg5[%add3A_567, %dma_wait3A_988, %mul3A_549] : memref<32x8x100000xf32, #tpu.memory_space<hbm>> -> memref<1x1x16xf32, #tpu.memory_space<hbm>>
    %dma_wait3A_992 = tpu.memref_squeeze %dma_wait3A_991 : memref<1x1x16xf32, #tpu.memory_space<hbm>> -> memref<16xf32, #tpu.memory_space<hbm>>
    %dma_wait3A_993 = tpu.memref_slice %arg5[%add3A_567, %dma_wait3A_988, %mul3A_549] : memref<32x8x100000xf32, #tpu.memory_space<hbm>> -> memref<1x1x16xf32, #tpu.memory_space<hbm>>
    %dma_wait3A_994 = tpu.memref_squeeze %dma_wait3A_993 : memref<1x1x16xf32, #tpu.memory_space<hbm>> -> memref<16xf32, #tpu.memory_space<hbm>>
    %dma_wait3A_995 = arith.constant 144 : i32
    %dma_wait3A_996 = tpu.memref_slice %arg10[%dma_wait3A_995] : memref<256xf32, #tpu.memory_space<vmem>> -> memref<16xf32, #tpu.memory_space<vmem>>
    tpu.wait_dma2 semaphore(%arg11 : memref<!tpu.dma_semaphore, #tpu.memory_space<semaphore_mem>>) src(%dma_wait3A_996 : memref<16xf32, #tpu.memory_space<vmem>>) dst(%dma_wait3A_994 : memref<16xf32, #tpu.memory_space<hbm>>)
    %dma_wait3A_997 = arith.constant 2 : i32
    %dma_wait3A_998 = arith.constant 160 : i32
    %dma_wait3A_999 = tpu.memref_slice %arg10[%dma_wait3A_998] : memref<256xf32, #tpu.memory_space<vmem>> -> memref<16xf32, #tpu.memory_space<vmem>>
    %dma_wait3A_1000 = tpu.memref_slice %arg5[%add3A_622, %dma_wait3A_997, %mul3A_604] : memref<32x8x100000xf32, #tpu.memory_space<hbm>> -> memref<1x1x16xf32, #tpu.memory_space<hbm>>
    %dma_wait3A_1001 = tpu.memref_squeeze %dma_wait3A_1000 : memref<1x1x16xf32, #tpu.memory_space<hbm>> -> memref<16xf32, #tpu.memory_space<hbm>>
    %dma_wait3A_1002 = tpu.memref_slice %arg5[%add3A_622, %dma_wait3A_997, %mul3A_604] : memref<32x8x100000xf32, #tpu.memory_space<hbm>> -> memref<1x1x16xf32, #tpu.memory_space<hbm>>
    %dma_wait3A_1003 = tpu.memref_squeeze %dma_wait3A_1002 : memref<1x1x16xf32, #tpu.memory_space<hbm>> -> memref<16xf32, #tpu.memory_space<hbm>>
    %dma_wait3A_1004 = arith.constant 160 : i32
    %dma_wait3A_1005 = tpu.memref_slice %arg10[%dma_wait3A_1004] : memref<256xf32, #tpu.memory_space<vmem>> -> memref<16xf32, #tpu.memory_space<vmem>>
    tpu.wait_dma2 semaphore(%arg11 : memref<!tpu.dma_semaphore, #tpu.memory_space<semaphore_mem>>) src(%dma_wait3A_1005 : memref<16xf32, #tpu.memory_space<vmem>>) dst(%dma_wait3A_1003 : memref<16xf32, #tpu.memory_space<hbm>>)
    %dma_wait3A_1006 = arith.constant 3 : i32
    %dma_wait3A_1007 = arith.constant 176 : i32
    %dma_wait3A_1008 = tpu.memref_slice %arg10[%dma_wait3A_1007] : memref<256xf32, #tpu.memory_space<vmem>> -> memref<16xf32, #tpu.memory_space<vmem>>
    %dma_wait3A_1009 = tpu.memref_slice %arg5[%add3A_677, %dma_wait3A_1006, %mul3A_659] : memref<32x8x100000xf32, #tpu.memory_space<hbm>> -> memref<1x1x16xf32, #tpu.memory_space<hbm>>
    %dma_wait3A_1010 = tpu.memref_squeeze %dma_wait3A_1009 : memref<1x1x16xf32, #tpu.memory_space<hbm>> -> memref<16xf32, #tpu.memory_space<hbm>>
    %dma_wait3A_1011 = tpu.memref_slice %arg5[%add3A_677, %dma_wait3A_1006, %mul3A_659] : memref<32x8x100000xf32, #tpu.memory_space<hbm>> -> memref<1x1x16xf32, #tpu.memory_space<hbm>>
    %dma_wait3A_1012 = tpu.memref_squeeze %dma_wait3A_1011 : memref<1x1x16xf32, #tpu.memory_space<hbm>> -> memref<16xf32, #tpu.memory_space<hbm>>
    %dma_wait3A_1013 = arith.constant 176 : i32
    %dma_wait3A_1014 = tpu.memref_slice %arg10[%dma_wait3A_1013] : memref<256xf32, #tpu.memory_space<vmem>> -> memref<16xf32, #tpu.memory_space<vmem>>
    tpu.wait_dma2 semaphore(%arg11 : memref<!tpu.dma_semaphore, #tpu.memory_space<semaphore_mem>>) src(%dma_wait3A_1014 : memref<16xf32, #tpu.memory_space<vmem>>) dst(%dma_wait3A_1012 : memref<16xf32, #tpu.memory_space<hbm>>)
    %dma_wait3A_1015 = arith.constant 4 : i32
    %dma_wait3A_1016 = arith.constant 192 : i32
    %dma_wait3A_1017 = tpu.memref_slice %arg10[%dma_wait3A_1016] : memref<256xf32, #tpu.memory_space<vmem>> -> memref<16xf32, #tpu.memory_space<vmem>>
    %dma_wait3A_1018 = tpu.memref_slice %arg5[%add3A_732, %dma_wait3A_1015, %mul3A_714] : memref<32x8x100000xf32, #tpu.memory_space<hbm>> -> memref<1x1x16xf32, #tpu.memory_space<hbm>>
    %dma_wait3A_1019 = tpu.memref_squeeze %dma_wait3A_1018 : memref<1x1x16xf32, #tpu.memory_space<hbm>> -> memref<16xf32, #tpu.memory_space<hbm>>
    %dma_wait3A_1020 = tpu.memref_slice %arg5[%add3A_732, %dma_wait3A_1015, %mul3A_714] : memref<32x8x100000xf32, #tpu.memory_space<hbm>> -> memref<1x1x16xf32, #tpu.memory_space<hbm>>
    %dma_wait3A_1021 = tpu.memref_squeeze %dma_wait3A_1020 : memref<1x1x16xf32, #tpu.memory_space<hbm>> -> memref<16xf32, #tpu.memory_space<hbm>>
    %dma_wait3A_1022 = arith.constant 192 : i32
    %dma_wait3A_1023 = tpu.memref_slice %arg10[%dma_wait3A_1022] : memref<256xf32, #tpu.memory_space<vmem>> -> memref<16xf32, #tpu.memory_space<vmem>>
    tpu.wait_dma2 semaphore(%arg11 : memref<!tpu.dma_semaphore, #tpu.memory_space<semaphore_mem>>) src(%dma_wait3A_1023 : memref<16xf32, #tpu.memory_space<vmem>>) dst(%dma_wait3A_1021 : memref<16xf32, #tpu.memory_space<hbm>>)
    %dma_wait3A_1024 = arith.constant 5 : i32
    %dma_wait3A_1025 = arith.constant 208 : i32
    %dma_wait3A_1026 = tpu.memref_slice %arg10[%dma_wait3A_1025] : memref<256xf32, #tpu.memory_space<vmem>> -> memref<16xf32, #tpu.memory_space<vmem>>
    %dma_wait3A_1027 = tpu.memref_slice %arg5[%add3A_787, %dma_wait3A_1024, %mul3A_769] : memref<32x8x100000xf32, #tpu.memory_space<hbm>> -> memref<1x1x16xf32, #tpu.memory_space<hbm>>
    %dma_wait3A_1028 = tpu.memref_squeeze %dma_wait3A_1027 : memref<1x1x16xf32, #tpu.memory_space<hbm>> -> memref<16xf32, #tpu.memory_space<hbm>>
    %dma_wait3A_1029 = tpu.memref_slice %arg5[%add3A_787, %dma_wait3A_1024, %mul3A_769] : memref<32x8x100000xf32, #tpu.memory_space<hbm>> -> memref<1x1x16xf32, #tpu.memory_space<hbm>>
    %dma_wait3A_1030 = tpu.memref_squeeze %dma_wait3A_1029 : memref<1x1x16xf32, #tpu.memory_space<hbm>> -> memref<16xf32, #tpu.memory_space<hbm>>
    %dma_wait3A_1031 = arith.constant 208 : i32
    %dma_wait3A_1032 = tpu.memref_slice %arg10[%dma_wait3A_1031] : memref<256xf32, #tpu.memory_space<vmem>> -> memref<16xf32, #tpu.memory_space<vmem>>
    tpu.wait_dma2 semaphore(%arg11 : memref<!tpu.dma_semaphore, #tpu.memory_space<semaphore_mem>>) src(%dma_wait3A_1032 : memref<16xf32, #tpu.memory_space<vmem>>) dst(%dma_wait3A_1030 : memref<16xf32, #tpu.memory_space<hbm>>)
    %dma_wait3A_1033 = arith.constant 6 : i32
    %dma_wait3A_1034 = arith.constant 224 : i32
    %dma_wait3A_1035 = tpu.memref_slice %arg10[%dma_wait3A_1034] : memref<256xf32, #tpu.memory_space<vmem>> -> memref<16xf32, #tpu.memory_space<vmem>>
    %dma_wait3A_1036 = tpu.memref_slice %arg5[%add3A_842, %dma_wait3A_1033, %mul3A_824] : memref<32x8x100000xf32, #tpu.memory_space<hbm>> -> memref<1x1x16xf32, #tpu.memory_space<hbm>>
    %dma_wait3A_1037 = tpu.memref_squeeze %dma_wait3A_1036 : memref<1x1x16xf32, #tpu.memory_space<hbm>> -> memref<16xf32, #tpu.memory_space<hbm>>
    %dma_wait3A_1038 = tpu.memref_slice %arg5[%add3A_842, %dma_wait3A_1033, %mul3A_824] : memref<32x8x100000xf32, #tpu.memory_space<hbm>> -> memref<1x1x16xf32, #tpu.memory_space<hbm>>
    %dma_wait3A_1039 = tpu.memref_squeeze %dma_wait3A_1038 : memref<1x1x16xf32, #tpu.memory_space<hbm>> -> memref<16xf32, #tpu.memory_space<hbm>>
    %dma_wait3A_1040 = arith.constant 224 : i32
    %dma_wait3A_1041 = tpu.memref_slice %arg10[%dma_wait3A_1040] : memref<256xf32, #tpu.memory_space<vmem>> -> memref<16xf32, #tpu.memory_space<vmem>>
    tpu.wait_dma2 semaphore(%arg11 : memref<!tpu.dma_semaphore, #tpu.memory_space<semaphore_mem>>) src(%dma_wait3A_1041 : memref<16xf32, #tpu.memory_space<vmem>>) dst(%dma_wait3A_1039 : memref<16xf32, #tpu.memory_space<hbm>>)
    %dma_wait3A_1042 = arith.constant 7 : i32
    %dma_wait3A_1043 = arith.constant 240 : i32
    %dma_wait3A_1044 = tpu.memref_slice %arg10[%dma_wait3A_1043] : memref<256xf32, #tpu.memory_space<vmem>> -> memref<16xf32, #tpu.memory_space<vmem>>
    %dma_wait3A_1045 = tpu.memref_slice %arg5[%add3A_897, %dma_wait3A_1042, %mul3A_879] : memref<32x8x100000xf32, #tpu.memory_space<hbm>> -> memref<1x1x16xf32, #tpu.memory_space<hbm>>
    %dma_wait3A_1046 = tpu.memref_squeeze %dma_wait3A_1045 : memref<1x1x16xf32, #tpu.memory_space<hbm>> -> memref<16xf32, #tpu.memory_space<hbm>>
    %dma_wait3A_1047 = tpu.memref_slice %arg5[%add3A_897, %dma_wait3A_1042, %mul3A_879] : memref<32x8x100000xf32, #tpu.memory_space<hbm>> -> memref<1x1x16xf32, #tpu.memory_space<hbm>>
    %dma_wait3A_1048 = tpu.memref_squeeze %dma_wait3A_1047 : memref<1x1x16xf32, #tpu.memory_space<hbm>> -> memref<16xf32, #tpu.memory_space<hbm>>
    %dma_wait3A_1049 = arith.constant 240 : i32
    %dma_wait3A_1050 = tpu.memref_slice %arg10[%dma_wait3A_1049] : memref<256xf32, #tpu.memory_space<vmem>> -> memref<16xf32, #tpu.memory_space<vmem>>
    tpu.wait_dma2 semaphore(%arg11 : memref<!tpu.dma_semaphore, #tpu.memory_space<semaphore_mem>>) src(%dma_wait3A_1050 : memref<16xf32, #tpu.memory_space<vmem>>) dst(%dma_wait3A_1048 : memref<16xf32, #tpu.memory_space<hbm>>)
    return
  }
}

module attributes {stable_mosaic.version = 14 : i64} {
  func.func @_fill_body(%arg0: i32, %arg1: memref<32x8xf32, #tpu.memory_space<vmem>>, %arg2: memref<16x16xf32, #tpu.memory_space<vmem>>, %arg3: memref<2x8x100000xf32, #tpu.memory_space<vmem>>, %arg4: memref<16x16xf32, #tpu.memory_space<vmem>>, %arg5: memref<16x16xf32, #tpu.memory_space<vmem>>) attributes {dimension_semantics = [#tpu.dimension_semantics<arbitrary>], iteration_bounds = array<i64: 16>, scalar_prefetch = 0 : i64, scratch_operands = 0 : i64, tpu.core_type = #tpu.core_type<tc>, window_params = [{pipeline_mode = #tpu.pipeline_mode<synchronous>, transform_indices = @transform_0, window_bounds = array<i64: 32, 8>}, {pipeline_mode = #tpu.pipeline_mode<synchronous>, transform_indices = @transform_1, window_bounds = array<i64: 16, 16>}, {transform_indices = @transform_2, window_bounds = array<i64: 2, 8, 100000>}, {pipeline_mode = #tpu.pipeline_mode<synchronous>, transform_indices = @transform_3, window_bounds = array<i64: 16, 16>}, {pipeline_mode = #tpu.pipeline_mode<synchronous>, transform_indices = @transform_4, window_bounds = array<i64: 16, 16>}]} {
    %mul3A = arith.constant 2 : i32
    %mul3A_0 = arith.muli %arg0, %mul3A : i32
    %get3A = arith.index_cast %mul3A_0 : i32 to index
    %get3A_1 = arith.constant 0 : index
    %get3A_2 = vector.load %arg1[%get3A, %get3A_1] : memref<32x8xf32, #tpu.memory_space<vmem>>, vector<2x8xf32>
    %logistic3A = arith.negf %get3A_2 : vector<2x8xf32>
    %logistic3A_3 = math.exp %logistic3A : vector<2x8xf32>
    %logistic3A_4 = arith.constant 1.000000e+00 : f32
    %logistic3A_5 = vector.broadcast %logistic3A_4 : f32 to vector<2x8xf32>
    %logistic3A_6 = arith.addf %logistic3A_5, %logistic3A_3 : vector<2x8xf32>
    %logistic3A_7 = arith.divf %logistic3A_5, %logistic3A_6 : vector<2x8xf32>
    %sub3A = arith.constant 1.000000e+00 : f32
    %sub3A_8 = vector.broadcast %sub3A : f32 to vector<2x8xf32>
    %sub3A_9 = arith.subf %sub3A_8, %logistic3A_7 : vector<2x8xf32>
    %mul3A_10 = arith.constant 9.99999974E-6 : f32
    %mul3A_11 = vector.broadcast %mul3A_10 : f32 to vector<2x8xf32>
    %mul3A_12 = arith.mulf %sub3A_9, %mul3A_11 : vector<2x8xf32>
    %log3A = math.log %mul3A_12 : vector<2x8xf32>
    %max3A = arith.constant -1.000000e+06 : f32
    %max3A_13 = vector.broadcast %max3A : f32 to vector<2x8xf32>
    %max3A_14 = arith.maximumf %log3A, %max3A_13 : vector<2x8xf32>
    %broadcast_in_dim3A = vector.shape_cast %max3A_14 : vector<2x8xf32> to vector<2x8x1xf32>
    %broadcast_in_dim3A_15 = vector.shape_cast %broadcast_in_dim3A : vector<2x8x1xf32> to vector<2x8x1xf32>
    %broadcast_in_dim3A_16 = vector.broadcast %broadcast_in_dim3A_15 : vector<2x8x1xf32> to vector<2x8x100000xf32>
    %swap3A = arith.constant 0 : index
    %swap3A_17 = arith.constant 0 : index
    %swap3A_18 = arith.constant 0 : index
    %swap3A_19 = vector.load %arg3[%swap3A, %swap3A_17, %swap3A_18] : memref<2x8x100000xf32, #tpu.memory_space<vmem>>, vector<2x8x100000xf32>
    tpu.vector_store %arg3[%swap3A, %swap3A_17, %swap3A_18], %broadcast_in_dim3A_16 {strides = array<i32>} : memref<2x8x100000xf32, #tpu.memory_space<vmem>>, vector<2x8x100000xf32>,
    %eq3A = arith.constant 0 : i32
    %eq3A_20 = arith.cmpi eq, %arg0, %eq3A : i32
    %convert_element_type3A = arith.extui %eq3A_20 : i1 to i32
    %cond3A = arith.constant 0 : i32
    %cond3A_21 = arith.cmpi ne, %convert_element_type3A, %cond3A : i32
    scf.if %cond3A_21 {
      %get3A_22 = arith.constant 0 : index
      %get3A_23 = arith.constant 0 : index
      %get3A_24 = vector.load %arg2[%get3A_22, %get3A_23] : memref<16x16xf32, #tpu.memory_space<vmem>>, vector<16x16xf32>
      %logistic3A_25 = arith.negf %get3A_24 : vector<16x16xf32>
      %logistic3A_26 = math.exp %logistic3A_25 : vector<16x16xf32>
      %logistic3A_27 = arith.constant 1.000000e+00 : f32
      %logistic3A_28 = vector.broadcast %logistic3A_27 : f32 to vector<16x16xf32>
      %logistic3A_29 = arith.addf %logistic3A_28, %logistic3A_26 : vector<16x16xf32>
      %logistic3A_30 = arith.divf %logistic3A_28, %logistic3A_29 : vector<16x16xf32>
      %sub3A_31 = arith.constant 1.000000e+00 : f32
      %sub3A_32 = vector.broadcast %sub3A_31 : f32 to vector<16x16xf32>
      %sub3A_33 = arith.subf %sub3A_32, %logistic3A_30 : vector<16x16xf32>
      %mul3A_34 = arith.constant 9.99999974E-6 : f32
      %mul3A_35 = vector.broadcast %mul3A_34 : f32 to vector<16x16xf32>
      %mul3A_36 = arith.mulf %sub3A_33, %mul3A_35 : vector<16x16xf32>
      %log3A_37 = math.log %mul3A_36 : vector<16x16xf32>
      %max3A_38 = arith.constant -1.000000e+06 : f32
      %max3A_39 = vector.broadcast %max3A_38 : f32 to vector<16x16xf32>
      %max3A_40 = arith.maximumf %log3A_37, %max3A_39 : vector<16x16xf32>
      %swap3A_41 = arith.constant 0 : index
      %swap3A_42 = arith.constant 0 : index
      %swap3A_43 = vector.load %arg4[%swap3A_41, %swap3A_42] : memref<16x16xf32, #tpu.memory_space<vmem>>, vector<16x16xf32>
      tpu.vector_store %arg4[%swap3A_41, %swap3A_42], %max3A_40 {strides = array<i32>} : memref<16x16xf32, #tpu.memory_space<vmem>>, vector<16x16xf32>,
      %add3A = arith.addf %mul3A_36, %logistic3A_30 : vector<16x16xf32>
      %log3A_44 = math.log %add3A : vector<16x16xf32>
      %max3A_45 = arith.constant -1.000000e+06 : f32
      %max3A_46 = vector.broadcast %max3A_45 : f32 to vector<16x16xf32>
      %max3A_47 = arith.maximumf %log3A_44, %max3A_46 : vector<16x16xf32>
      %swap3A_48 = arith.constant 0 : index
      %swap3A_49 = arith.constant 0 : index
      %swap3A_50 = vector.load %arg5[%swap3A_48, %swap3A_49] : memref<16x16xf32, #tpu.memory_space<vmem>>, vector<16x16xf32>
      tpu.vector_store %arg5[%swap3A_48, %swap3A_49], %max3A_47 {strides = array<i32>} : memref<16x16xf32, #tpu.memory_space<vmem>>, vector<16x16xf32>,
    } else {
    }
    return
  }
  func.func @transform_0(%arg0: i32) -> (i32, i32) {
    %c0_i32 = arith.constant 0 : i32
    %c0_i32_0 = arith.constant 0 : i32
    %c0_i32_1 = arith.constant 0 : i32
    return %c0_i32, %c0_i32_0 : i32, i32
  }
  func.func @transform_1(%arg0: i32) -> (i32, i32) {
    %c0_i32 = arith.constant 0 : i32
    %c0_i32_0 = arith.constant 0 : i32
    %c0_i32_1 = arith.constant 0 : i32
    return %c0_i32, %c0_i32_0 : i32, i32
  }
  func.func @transform_2(%arg0: i32) -> (i32, i32, i32) {
    %c0_i32 = arith.constant 0 : i32
    %c0_i32_0 = arith.constant 0 : i32
    %c0_i32_1 = arith.constant 0 : i32
    return %arg0, %c0_i32, %c0_i32_0 : i32, i32, i32
  }
  func.func @transform_3(%arg0: i32) -> (i32, i32) {
    %c0_i32 = arith.constant 0 : i32
    %c0_i32_0 = arith.constant 0 : i32
    %c0_i32_1 = arith.constant 0 : i32
    return %c0_i32, %c0_i32_0 : i32, i32
  }
  func.func @transform_4(%arg0: i32) -> (i32, i32) {
    %c0_i32 = arith.constant 0 : i32
    %c0_i32_0 = arith.constant 0 : i32
    %c0_i32_1 = arith.constant 0 : i32
    return %c0_i32, %c0_i32_0 : i32, i32
  }
}

</mosaic_0001>

<sc_bundles>
// kernel: kernel.4.cloned.1.call-start
scs
__scs_entry_jumppad:
0x0: {  	(pc) =	sbr.rel $0x88, $3  }
0x1: {  	(tag) =	ssettag $0x0;
	lr =	simm.s32 $0x1  }
0x2: {  	[smem:$0x3F9F] =	sst lr;
	_ =	strace $0xD0000000  }
0x3: {  	_ = 	snop  }
0x4: {  	_ = 	snop  }
0x5: {  	_ = 	snop  }
0x6: {  	_ = 	snop  }
0x7: {  	_ = 	snop  }
__scs_overlays_trampoline_lowered:
0x8: {  	[smem:$0x3FAE] =	sst s0  }
0x9: {  	[smem:$0x3FAF] =	sst s1  }
0xa: {  	[smem:$0x3FB0] =	sst s2  }
0xb: {  	[smem:$0x3FB1] =	sst s3  }
0xc: {  	[smem:$0x3FB2] =	sst s4  }
0xd: {  	[smem:$0x3FB3] =	sst s5  }
0xe: {  	[smem:$0x3FB4] =	sst s6  }
0xf: {  	[smem:$0x3FB5] =	sst s7  }
0x10: {  	[smem:$0x3FB6] =	sst s8  }
0x11: {  	[smem:$0x3FB7] =	sst s9;
	s0 =	simm.s32 @!p0 $0x0  }
0x12: {  	s1 =	sld [smem:$0x3F9D];
	s0 =	simm.s32 @p0 $0x1  }
0x13: {  	[smem:$0x3FB8] =	sst s0;
	s0 =	simm.s32 @!p1 $0x0  }
0x14: {  	s2 =	sld [smem:$0x3F9C];
	s0 =	simm.s32 @p1 $0x1  }
0x15: {  	[smem:$0x3FB9] =	sst s0;
	s0 =	simm.s32 @!p2 $0x0  }
0x16: {  	s3 =	sld [smem:$0x3FDB];
	s0 =	simm.s32 @p2 $0x1  }
0x17: {  	s4 =	simm.s32 $0x1BF5;
	[smem:$0x3FBB] =	sst s0  }
0x18: {  	s0 =	sld [smem:$0x3F9E];
	_ =	swait.ge [sflag:s4], $0x0  }
0x19: {  	s7 =	sld [smem:$0x3F9F]  }
0x1a: {  	s8 =	sadd.s32 $0xFFFFE003, lr  }
0x1b: {  	s9 =	sadd.s32 $0xFFFFFEF7, lr;
	s5 =	simm.s32 $0xFFFFFFFF;
	p2 =	slt.u32 s8, $0xFFFFF086  }
0x1c: {  	p1 =	slt.u32 s9, $0xF7A;
	s5 =	simm.s32 @!p2 $0x0  }
0x1d: {  	s5 =	simm.s32 @p1 $0x1;
	p0 =	seq.s32 s7, s2  }
0x1e: {  	s7 =	smul.u32 @!p0 $0xF7A, s2;
	p2 =	seq.s32 @!p0 s5, $0x0  }
0x1f: {  	s9 =	smul.u32 $0xF7A, s1;
	s8 =	simm.s32 @!p0 $0x1BF5;
	p2 =	por !p2, p0  }
0x20: {  	[sflag:s8] =	ssyncset.s32 @!p0 $0xFFFFF086;
	s6 =	sadd.s32 @!p0 s3, s7;
	s7 =	simm.s32 @!p0 $0x108  }
0x21: {  	s3 =	sadd.s32 s3, s9;
	s6 =	sadd.s32 @!p0 $0x88, s6;
	s7 =	simm.s32 @p2 $0x1082  }
0x22: {  	[simem:s7], [sflag:s8] =	dma.local @!p0 [hbm:s6], $0xF7A  }
0x23: {  	s9 =	sor.u32 $0xD0000000, s2;
	s6 =	simm.s32 $0x108;
	_ =	swait.ge @!p0 [sflag:s8], $0x0  }
0x24: {  	s3 =	sadd.s32 $0x88, s3;
	s6 =	simm.s32 @!p1 $0x1082;
	[sflag:s4] =	ssyncset.s32 $0xFFFFF086  }
0x25: {  	[simem:s6], [sflag:s4] =	dma.local [hbm:s3], $0xF7A  }
0x26: {  	[smem:$0x3F9F] =	sst s1;
	(tag) =	ssettag s2;
	_ =	strace s9  }
0x27: {  	s1 =	sld [smem:$0x3FAF]  }
0x28: {  	s2 =	sld [smem:$0x3FB0]  }
0x29: {  	s4 =	sld [smem:$0x3FB2]  }
0x2a: {  	p0 =	seq.s32 s5, $0x0;
	s5 =	sld [smem:$0x3FB3]  }
0x2b: {  	s6 =	sld [smem:$0x3FB4]  }
0x2c: {  	s7 =	sld [smem:$0x3FB5]  }
0x2d: {  	s3 =	simm.s32 $0x108;
	s8 =	sld [smem:$0x3FB6]  }
0x2e: {  	s3 =	simm.s32 @!p0 $0x1082;
	s9 =	sld [smem:$0x3FB7]  }
0x2f: {  	lr =	sadd.s32 s0, s3;
	s0 =	sld [smem:$0x3FAE]  }
0x30: {  	s3 =	sld [smem:$0x3FB1]  }
0x31: {  	[smem:$0x3FBA] =	sst s10  }
0x32: {  	s10 =	sld [smem:$0x3FB8];
	_ =	sdelay $0x3  }
0x33: {  	p0 =	seq.s32 s10, $0x1;
	s10 =	sld [smem:$0x3FBA];
	_ =	sdelay $0x3  }
0x34: {  	[smem:$0x3FBA] =	sst s10  }
0x35: {  	s10 =	sld [smem:$0x3FB9];
	_ =	sdelay $0x3  }
0x36: {  	p1 =	seq.s32 s10, $0x1;
	s10 =	sld [smem:$0x3FBA];
	_ =	sdelay $0x3  }
0x37: {  	[smem:$0x3FBA] =	sst s10  }
0x38: {  	s10 =	sld [smem:$0x3FBB]  }
0x39: {  	_ = 	snop;
	(pc) =	sbr.ind lr, $3  }
0x3a: {  	_ = 	snop  }
0x3b: {  	_ = 	snop  }
0x3c: {  	p2 =	seq.s32 s10, $0x1;
	s10 =	sld [smem:$0x3FBA]  }
0x3d: {  	_ =	shalt  }
0x3e: {  	_ =	shalt  }
0x3f: {  	_ =	shalt  }
0x40: {  	_ =	shalt  }
0x41: {  	_ =	shalt  }
0x42: {  	_ =	shalt  }
0x43: {  	_ =	shalt  }
0x44: {  	_ =	shalt  }
0x45: {  	_ =	shalt  }
0x46: {  	_ =	shalt  }
0x47: {  	_ =	shalt  }
0x48: {  	_ =	shalt  }
0x49: {  	_ =	shalt  }
0x4a: {  	_ =	shalt  }
0x4b: {  	_ =	shalt  }
0x4c: {  	_ =	shalt  }
0x4d: {  	_ =	shalt  }
0x4e: {  	_ =	shalt  }
0x4f: {  	_ =	shalt  }
0x50: {  	_ =	shalt  }
0x51: {  	_ =	shalt  }
0x52: {  	_ =	shalt  }
0x53: {  	_ =	shalt  }
0x54: {  	_ =	shalt  }
0x55: {  	_ =	shalt  }
0x56: {  	_ =	shalt  }
0x57: {  	_ =	shalt  }
0x58: {  	_ =	shalt  }
0x59: {  	_ =	shalt  }
0x5a: {  	_ =	shalt  }
0x5b: {  	_ =	shalt  }
0x5c: {  	_ =	shalt  }
0x5d: {  	_ =	shalt  }
0x5e: {  	_ =	shalt  }
0x5f: {  	_ =	shalt  }
0x60: {  	_ =	shalt  }
0x61: {  	_ =	shalt  }
0x62: {  	_ =	shalt  }
0x63: {  	_ =	shalt  }
0x64: {  	_ =	shalt  }
0x65: {  	_ =	shalt  }
0x66: {  	_ =	shalt  }
0x67: {  	_ =	shalt  }
0x68: {  	_ =	shalt  }
0x69: {  	_ =	shalt  }
0x6a: {  	_ =	shalt  }
0x6b: {  	_ =	shalt  }
0x6c: {  	_ =	shalt  }
0x6d: {  	_ =	shalt  }
0x6e: {  	_ =	shalt  }
0x6f: {  	_ =	shalt  }
0x70: {  	_ =	shalt  }
0x71: {  	_ =	shalt  }
0x72: {  	_ =	shalt  }
0x73: {  	_ =	shalt  }
0x74: {  	_ =	shalt  }
0x75: {  	_ =	shalt  }
0x76: {  	_ =	shalt  }
0x77: {  	_ =	shalt  }
0x78: {  	_ =	shalt  }
0x79: {  	_ =	shalt  }
0x7a: {  	_ =	shalt  }
0x7b: {  	_ =	shalt  }
0x7c: {  	_ =	shalt  }
0x7d: {  	_ =	shalt  }
0x7e: {  	_ =	shalt  }
0x7f: {  	_ =	shalt  }
0x80: {  	_ =	shalt  }
0x81: {  	_ =	shalt  }
0x82: {  	_ =	shalt  }
0x83: {  	_ =	shalt  }
0x84: {  	_ =	shalt  }
0x85: {  	_ =	shalt  }
0x86: {  	_ =	shalt  }
0x87: {  	_ =	shalt  }
.Lfunc_end0:
.L_simem_size_0:
called_computation_lowered:
.L_overlay_start_0:
0x88: {  	s0 =	sld [smem:$0x3FD9]  }
0x89: {  	s1 =	sld [smem:$0x3FFE];
	_ =	sdelay $0x3  }
0x8a: {  	s0 =	sadd.s32 s1, s0  }
0x8b: {  	[smem:$0x3FC6] =	sst s0  }
0x8c: {  	_ = 	snop  }
0x8d: {  	s0 =	sld [smem:$0x3FD0];
	(tm) =	ssettm $0x1  }
0x8e: {  	s16 =	sld [smem:$0x3FFB];
	_ =	sdelay $0x3  }
0x8f: {  	_ =	strace s16  }
0x90: {  	s1 =	sld [smem:$0x3FFC];
	_ =	sdelay $0x3  }
0x91: {  	_ =	strace s1  }
0x92: {  	s1 =	sld [smem:$0x3FFD];
	_ =	sdelay $0x3  }
0x93: {  	_ =	strace s1  }
0x94: {  	_ =	strace $0x8FFFFFFF  }
0x95: {  	s17 =	sld [smem:$0x3FDB];
	_ =	sdelay $0x1  }
0x96: {  	s2 =	simm.s32 $_scs_section_size  }
0x97: {  	s3 =	simm.s32 $_size__tile_overlayer_lowered;
	s4 =	simm.s32 $_tile_overlayer_lowered  }
0x98: {  	s20 =	simm.s32 $0x1BFF;
	s19 =	sshll.u32 s4, $0x1;
	s1 =	sadd.s32 s2, s17  }
0x99: {  	s5 =	simm.s32 $0x0;
	s18 =	sshll.u32 s3, $0x1;
	s3 =	sadd.s32 s19, s1  }
0x9a: {  	[timem:s5], [sflag:s20] =	dma.local [hbm:s3], s18  }
0x9b: {  	_ =	swait.ge [sflag:s20], s18  }
0x9c: {  	s2 =	ssub.s32 $0x0, s18;
	[sflag:s20] =	ssyncset.done $0x0  }
0x9d: {  	[sflag:s20] =	ssyncadd.s32 s2;
	_ =	sdelay $0x1  }
0x9e: {  	s21 =	simm.s32 $0x1B8B  }
0x9f: {  	_ =	swait.ge [sflag:s21], $0x1  }
0xa0: {  	[sflag:s21] =	ssyncset.done $0x0  }
0xa1: {  	s23 =	simm.s32 $0x1B8E;
	s22 =	sld [smem:$0x3FFE];
	[sflag:s21] =	ssyncadd.s32 $0xFFFFFFFF  }
0xa2: {  	s24 =	simm.s32 $execute0_lowered;
	[smem:$0x3FD2] =	sst s23  }
0xa3: {  	s3 =	sshll.u32 s24, $0x1;
	_ =	strace $0x80000046;
	[dreg:$0x1] =	wrdreg $0xFFFFFFFF  }
0xa4: {  	s25 =	simm.s32 $_size_execute0_lowered;
	s1 =	sadd.s32 s1, s3;
	[dreg:$0x0] =	wrdreg $0x0  }
0xa5: {  	s3 =	sshll.u32 s25, $0x1;
	[dreg:$0x2] =	wrdreg s1  }
0xa6: {  	[dreg:$0x3] =	wrdreg s3  }
0xa7: {  	[dreg:$0x4] =	wrdreg $0xC0  }
0xa8: {  	_ =	task [dreg:s5], $0x5FFFF  }
0xa9: {  	[dreg:$0x1] =	wrdreg $0xFFFFFFFF  }
0xaa: {  	[dreg:$0x0] =	wrdreg $0x60  }
0xab: {  	[dreg:$0x2] =	wrdreg s22  }
0xac: {  	[dreg:$0x3] =	wrdreg s0  }
0xad: {  	[dreg:$0x4] =	wrdreg $0x9  }
0xae: {  	_ =	task.clear_ibuf [dreg:s5], $0x5FFFF;
	_ =	strace $0x90000046  }
0xaf: {  	s26 =	simm.s32 $0x9;
	_ =	strace $0x80000048  }
0xb0: {  	_ =	swait.ge [sflag:s26], $0x1  }
0xb1: {  	[sflag:s26] =	ssyncadd.s32 $0xFFFFFFFF  }
0xb2: {  	_ =	strace $0x90000048  }
0xb3: {  	_ =	sfence  }
0xb4: {  	s28 =	sld [smem:$0x0];
	_ =	sdelay $0x1  }
0xb5: {  	s29 =	srdreg.scid  }
0xb6: {  	s30 =	sshll.u32 s29, $0xD;
	s31 =	sshrl.u32 s29, $0x2  }
0xb7: {  	s2 =	sand.u32 $0x4000, s30;
	s1 =	sand.u32 $0x1, s29;
	s0 =	sadd.s32 s31, s28  }
0xb8: {  	s1 =	sor.u32 s2, s1;
	s0 =	sshll.u32 s0, $0x11  }
0xb9: {  	s0 =	sor.u32 s0, s1  }
0xba: {  	s0 =	sadd.s32 $0x8F2B, s0  }
0xbb: {  	[sflag:s0] =	ssyncadd.remote.s32 $0x1  }
0xbc: {  	_ =	sfence.sel $0xFFFF  }
0xbd: {  	[dreg:$0x0] =	wrdreg $0xFFFFFFFF;
	(pc) =	sbr.abs _section_cstart, $3  }
0xbe: {  	[dreg:$0x1] =	wrdreg $0xFFFFFFFF  }
0xbf: {  	_ =	task.clear_ibuf [dreg:s5], $0x2FFFF;
	_ =	strace $0x9FFFFFFF  }
0xc0: {  	(tm) =	ssettm $0x7FFFFFFF  }
0xc1: {  	_ =	shalt  }
tec
execute0_lowered:
.L_overlay_start_1:
0x0: {  	(tag) =	ssettag $0x1  }
0x1: {  	s2 =	rddreg [dreg:$0x0];
	s1 =	stileid.u32  }
0x2: {  	s4 =	rddreg [dreg:$0x1];
	s3 =	simm.s32 $0x0;
	s5 =	sshll.u32 s1, $0x4  }
0x3: {  	[smem:$0x7FF] =	sst s3;
	s2 =	sadd.s32 s5, s2  }
0x4: {  	s0 =	rddreg [dreg:$0x2];
	_ =	strace $0x80000047;
	s5 =	sadd.s32 $0xC00, s2  }
0x5: {  	[tilespmem:s3], [sflag:$0x1] =	stream.linear.gather [hbm4b:s5+s3], $0x80, $0x38;
	[tilespmem:$0x280] =	vst v63  }
0x6: {  	s6 =	simm.s32 $0x80;
	s26 =	sadd.s32 $0xE00, s2  }
0x7: {  	[tilespmem:s6], [sflag:$0x1] =	stream.linear.gather [hbm4b:s26+s3], $0x80, $0x38;
	[tilespmem:$0x280] =	vst v63  }
0x8: {  	s28 =	simm.s32 $0x100;
	s2 =	sadd.s32 $0xA00, s2  }
0x9: {  	[tilespmem:s28], [sflag:$0x1] =	stream.linear.gather [hbm4b:s2+s3], $0x80, $0x38;
	[tilespmem:$0x280] =	vst v63  }
0xa: {  	s2 =	simm.s32 $0x1  }
0xb: {  	_ =	swait.ge [sflag:s2], $0x80  }
0xc: {  	[sflag:s2] =	ssyncset.done $0x0  }
0xd: {  	[sflag:s2] =	ssyncadd.s32 $0xFFFFFF80  }
0xe: {  	_ =	swait.ge [sflag:s2], $0x80  }
0xf: {  	[sflag:s2] =	ssyncset.done $0x0  }
0x10: {  	[sflag:s2] =	ssyncadd.s32 $0xFFFFFF80  }
0x11: {  	_ =	swait.ge [sflag:s2], $0x80  }
0x12: {  	[sflag:s2] =	ssyncset.done $0x0  }
0x13: {  	[sflag:s2] =	ssyncadd.s32 $0xFFFFFF80  }
0x14: {  	v3 =	vld [tilespmem:$0x100];
	_ =	sdelay $0x4  }
0x15: {  	(v2sf) =	vpush v3, $0x0;
	_ =	sdelay $0xe  }
0x16: {  	s29 =	spop (v2sf);
	(v2sf) =	vpush v3, $0x1;
	_ =	sdelay $0x1  }
0x17: {  	s30 =	sand.u32 $0xF, s29;
	(v2sf) =	vpush v3, $0x2  }
0x18: {  	s7 =	sshra.s32 s29, $0x1F;
	p0 =	slt.s32 s29, $0x1;
	p1 =	sne.s32 s30, $0x0  }
0x19: {  	v0 =	vld [tilespmem:$0x0];
	s31 =	sshrl.u32 s7, $0x1C;
	p0 =	por !p0, !p1  }
0x1a: {  	v1 =	vld [tilespmem:$0x80];
	s7 =	simm.s32 $0x1;
	s6 =	sadd.s32 s31, s29;
	p0 =	por !p0, !p0  }
0x1b: {  	s6 =	sshra.s32 s6, $0x4;
	s7 =	simm.s32 @!p0 $0x0  }
0x1c: {  	s7 =	ssub.s32 s6, s7  }
0x1d: {  	s6 =	smul.u32 $0x187000, s1;
	s8 =	sshll.u32 s7, $0x4;
	s7 =	sshll.u32 s7, $0x7  }
0x1e: {  	v2 =	vlaneseq.u32;
	s5 =	ssub.s32 s29, s8;
	s7 =	sand.u32 $0xFFFFFC00, s7  }
0x1f: {  	v5 =	vbroadcast v1, $0x0;
	v6 =	vbroadcast v0, $0x0;
	s8 =	sand.u32 $0x70, s8;
	v4 =	vmov s5;
	s5 =	sadd.s32 s6, s7  }
0x20: {  	vm0 =	veq.s32 v4, v2;
	s5 =	sor.u32 s8, s5  }
0x21: {  	v4 =	vsel vm0, v5, v6;
	s5 =	sshrl.u32 s5, $0x3  }
0x22: {  	s9 =	simm.s32 $0x180;
	[tilespmem:$0x180] =	vst v4;
	s5 =	sadd.s32 s4, s5  }
0x23: {  	[hbm4b:s5+s3] =	stream.linear.scatter [tilespmem:s9], [sflag:$0x1], $0x10, $0x38;
	[tilespmem:$0x280] =	vst v63  }
0x24: {  	s10 =	spop (v2sf)  }
0x25: {  	s8 =	simm.s32 $0x1;
	s11 =	sand.u32 $0xF, s10;
	s12 =	sshra.s32 s10, $0x1F  }
0x26: {  	p1 =	slt.s32 s10, $0x1;
	s17 =	spop (v2sf);
	p2 =	sne.s32 s11, $0x0  }
0x27: {  	(v2sf) =	vpush v3, $0x3;
	s13 =	sshrl.u32 s12, $0x1C;
	s18 =	sand.u32 $0xF, s17;
	p0 =	por !p1, !p2  }
0x28: {  	s9 =	sshra.s32 s17, $0x1F;
	s7 =	sadd.s32 s13, s10;
	p0 =	por !p0, !p0  }
0x29: {  	(v2sf) =	vpush v3, $0x4;
	p3 =	slt.s32 s17, $0x1;
	s7 =	sshra.s32 s7, $0x4;
	s8 =	simm.s32 @!p0 $0x0  }
0x2a: {  	p4 =	sne.s32 s18, $0x0;
	s19 =	sshrl.u32 s9, $0x1C;
	s7 =	ssub.s32 s7, s8  }
0x2b: {  	s9 =	simm.s32 $0x1;
	p0 =	por !p3, !p4;
	s8 =	sshll.u32 s7, $0x4  }
0x2c: {  	p0 =	por !p0, !p0;
	s7 =	sshll.u32 s7, $0x7;
	s5 =	ssub.s32 s10, s8  }
0x2d: {  	s7 =	sand.u32 $0xFFFFFC00, s7;
	s15 =	sand.u32 $0x70, s8;
	s8 =	sadd.s32 s19, s17  }
0x2e: {  	v22 =	vbroadcast v1, $0x1;
	v23 =	vbroadcast v0, $0x1;
	s9 =	simm.s32 @!p0 $0x0;
	v21 =	vmov s5;
	s14 =	sadd.s32 s6, s7;
	s8 =	sshra.s32 s8, $0x4  }
0x2f: {  	s5 =	sadd.s32 $0x10, s4;
	vm13 =	veq.s32 v21, v2;
	s7 =	sor.u32 s15, s14;
	s8 =	ssub.s32 s8, s9  }
0x30: {  	v4 =	vsel vm13, v22, v23;
	s7 =	sshrl.u32 s7, $0x3;
	s9 =	sshll.u32 s8, $0x4;
	s8 =	sshll.u32 s8, $0x7  }
0x31: {  	s16 =	simm.s32 $0x190;
	[tilespmem:$0x190] =	vst v4;
	s7 =	sadd.s32 s7, s5;
	s8 =	sand.u32 $0xFFFFFC00, s8  }
0x32: {  	[hbm4b:s7+s3] =	stream.linear.scatter [tilespmem:s16], [sflag:$0x1], $0x10, $0x38;
	[tilespmem:$0x280] =	vst v63  }
0x33: {  	s21 =	sand.u32 $0x70, s9;
	s20 =	sadd.s32 s6, s8  }
0x34: {  	s7 =	ssub.s32 s17, s9;
	s8 =	sor.u32 s21, s20  }
0x35: {  	v25 =	vbroadcast v1, $0x2;
	v26 =	vbroadcast v0, $0x2;
	v24 =	vmov s7;
	s7 =	sadd.s32 $0x20, s4;
	s8 =	sshrl.u32 s8, $0x3  }
0x36: {  	s22 =	simm.s32 $0x1A0;
	vm14 =	veq.s32 v24, v2;
	s23 =	spop (v2sf);
	s8 =	sadd.s32 s8, s7  }
0x37: {  	v4 =	vsel vm14, v25, v26;
	s24 =	sand.u32 $0xF, s23;
	s10 =	sshra.s32 s23, $0x1F;
	p5 =	slt.s32 s23, $0x1  }
0x38: {  	s30 =	spop (v2sf);
	[tilespmem:$0x1A0] =	vst v4;
	p6 =	sne.s32 s24, $0x0;
	s25 =	sshrl.u32 s10, $0x1C  }
0x39: {  	[hbm4b:s8+s3] =	stream.linear.scatter [tilespmem:s22], [sflag:$0x1], $0x10, $0x38;
	[tilespmem:$0x280] =	vst v63  }
0x3a: {  	(v2sf) =	vpush v3, $0x5;
	s10 =	simm.s32 $0x1;
	s31 =	sand.u32 $0xF, s30;
	p0 =	por !p5, !p6  }
0x3b: {  	s11 =	sshra.s32 s30, $0x1F;
	s9 =	sadd.s32 s25, s23;
	p0 =	por !p0, !p0  }
0x3c: {  	(v2sf) =	vpush v3, $0x6;
	p1 =	slt.s32 s30, $0x1;
	s9 =	sshra.s32 s9, $0x4;
	s10 =	simm.s32 @!p0 $0x0  }
0x3d: {  	p2 =	sne.s32 s31, $0x0;
	s12 =	sshrl.u32 s11, $0x1C;
	s9 =	ssub.s32 s9, s10  }
0x3e: {  	s11 =	simm.s32 $0x1;
	p0 =	por !p1, !p2;
	s10 =	sshll.u32 s9, $0x4  }
0x3f: {  	p0 =	por !p0, !p0;
	s9 =	sshll.u32 s9, $0x7;
	s8 =	ssub.s32 s23, s10  }
0x40: {  	s9 =	sand.u32 $0xFFFFFC00, s9;
	s28 =	sand.u32 $0x70, s10;
	s10 =	sadd.s32 s12, s30  }
0x41: {  	v28 =	vbroadcast v1, $0x3;
	v29 =	vbroadcast v0, $0x3;
	s11 =	simm.s32 @!p0 $0x0;
	v27 =	vmov s8;
	s26 =	sadd.s32 s6, s9;
	s10 =	sshra.s32 s10, $0x4  }
0x42: {  	s8 =	sadd.s32 $0x30, s4;
	vm15 =	veq.s32 v27, v2;
	s9 =	sor.u32 s28, s26;
	s10 =	ssub.s32 s10, s11  }
0x43: {  	v4 =	vsel vm15, v28, v29;
	s9 =	sshrl.u32 s9, $0x3;
	s11 =	sshll.u32 s10, $0x4;
	s10 =	sshll.u32 s10, $0x7  }
0x44: {  	s29 =	simm.s32 $0x1B0;
	[tilespmem:$0x1B0] =	vst v4;
	s9 =	sadd.s32 s9, s8;
	s10 =	sand.u32 $0xFFFFFC00, s10  }
0x45: {  	[hbm4b:s9+s3] =	stream.linear.scatter [tilespmem:s29], [sflag:$0x1], $0x10, $0x38;
	[tilespmem:$0x280] =	vst v63  }
0x46: {  	s14 =	sand.u32 $0x70, s11;
	s13 =	sadd.s32 s6, s10  }
0x47: {  	s9 =	ssub.s32 s30, s11;
	s10 =	sor.u32 s14, s13  }
0x48: {  	v31 =	vbroadcast v1, $0x4;
	v32 =	vbroadcast v0, $0x4;
	v30 =	vmov s9;
	s9 =	sadd.s32 $0x40, s4;
	s10 =	sshrl.u32 s10, $0x3  }
0x49: {  	s15 =	simm.s32 $0x1C0;
	vm4 =	veq.s32 v30, v2;
	s16 =	spop (v2sf);
	s10 =	sadd.s32 s10, s9  }
0x4a: {  	v4 =	vsel vm4, v31, v32;
	s17 =	sand.u32 $0xF, s16;
	s12 =	sshra.s32 s16, $0x1F;
	p3 =	slt.s32 s16, $0x1  }
0x4b: {  	s22 =	spop (v2sf);
	[tilespmem:$0x1C0] =	vst v4;
	p4 =	sne.s32 s17, $0x0;
	s18 =	sshrl.u32 s12, $0x1C  }
0x4c: {  	(v2sf) =	vpush v3, $0x7;
	[hbm4b:s10+s3] =	stream.linear.scatter [tilespmem:s15], [sflag:$0x1], $0x10, $0x38;
	[tilespmem:$0x280] =	vst v63  }
0x4d: {  	s12 =	simm.s32 $0x1;
	s23 =	sand.u32 $0xF, s22;
	p0 =	por !p3, !p4  }
0x4e: {  	s13 =	sshra.s32 s22, $0x1F;
	s11 =	sadd.s32 s18, s16;
	p0 =	por !p0, !p0  }
0x4f: {  	p5 =	slt.s32 s22, $0x1;
	s11 =	sshra.s32 s11, $0x4;
	s12 =	simm.s32 @!p0 $0x0  }
0x50: {  	(v2sf) =	vpush v3, $0x8;
	p6 =	sne.s32 s23, $0x0;
	s24 =	sshrl.u32 s13, $0x1C;
	s11 =	ssub.s32 s11, s12  }
0x51: {  	s13 =	simm.s32 $0x1;
	p0 =	por !p5, !p6;
	s12 =	sshll.u32 s11, $0x4  }
0x52: {  	p0 =	por !p0, !p0;
	s11 =	sshll.u32 s11, $0x7;
	s10 =	ssub.s32 s16, s12  }
0x53: {  	s11 =	sand.u32 $0xFFFFFC00, s11;
	s20 =	sand.u32 $0x70, s12;
	s12 =	sadd.s32 s24, s22  }
0x54: {  	v34 =	vbroadcast v1, $0x5;
	v35 =	vbroadcast v0, $0x5;
	s13 =	simm.s32 @!p0 $0x0;
	v33 =	vmov s10;
	s19 =	sadd.s32 s6, s11;
	s12 =	sshra.s32 s12, $0x4  }
0x55: {  	s10 =	sadd.s32 $0x50, s4;
	vm5 =	veq.s32 v33, v2;
	s11 =	sor.u32 s20, s19;
	s12 =	ssub.s32 s12, s13  }
0x56: {  	v4 =	vsel vm5, v34, v35;
	s11 =	sshrl.u32 s11, $0x3;
	s13 =	sshll.u32 s12, $0x4;
	s12 =	sshll.u32 s12, $0x7  }
0x57: {  	s21 =	simm.s32 $0x1D0;
	[tilespmem:$0x1D0] =	vst v4;
	s11 =	sadd.s32 s11, s10;
	s12 =	sand.u32 $0xFFFFFC00, s12  }
0x58: {  	[hbm4b:s11+s3] =	stream.linear.scatter [tilespmem:s21], [sflag:$0x1], $0x10, $0x38;
	[tilespmem:$0x280] =	vst v63  }
0x59: {  	s26 =	sand.u32 $0x70, s13;
	s11 =	ssub.s32 s22, s13;
	s25 =	sadd.s32 s6, s12  }
0x5a: {  	v37 =	vbroadcast v1, $0x6;
	v38 =	vbroadcast v0, $0x6;
	v36 =	vmov s11;
	s12 =	sor.u32 s26, s25  }
0x5b: {  	s11 =	sadd.s32 $0x60, s4;
	vm6 =	veq.s32 v36, v2;
	s12 =	sshrl.u32 s12, $0x3;
	s29 =	spop (v2sf)  }
0x5c: {  	s28 =	simm.s32 $0x1E0;
	v4 =	vsel vm6, v37, v38;
	s12 =	sadd.s32 s12, s11;
	s30 =	sand.u32 $0xF, s29  }
0x5d: {  	s14 =	sshra.s32 s29, $0x1F;
	p1 =	slt.s32 s29, $0x1;
	[tilespmem:$0x1E0] =	vst v4;
	p2 =	sne.s32 s30, $0x0  }
0x5e: {  	(v2sf) =	vpush v3, $0x9;
	[hbm4b:s12+s3] =	stream.linear.scatter [tilespmem:s28], [sflag:$0x1], $0x10, $0x38;
	[tilespmem:$0x280] =	vst v63  }
0x5f: {  	s17 =	spop (v2sf);
	s31 =	sshrl.u32 s14, $0x1C;
	p0 =	por !p1, !p2  }
0x60: {  	(v2sf) =	vpush v3, $0xA;
	s14 =	simm.s32 $0x1;
	s13 =	sadd.s32 s31, s29;
	p0 =	por !p0, !p0  }
0x61: {  	s13 =	sshra.s32 s13, $0x4;
	s14 =	simm.s32 @!p0 $0x0  }
0x62: {  	s16 =	simm.s32 $0x1F0;
	s18 =	sand.u32 $0xF, s17;
	s13 =	ssub.s32 s13, s14  }
0x63: {  	p3 =	slt.s32 s17, $0x1;
	s14 =	sshll.u32 s13, $0x4;
	s13 =	sshll.u32 s13, $0x7  }
0x64: {  	p4 =	sne.s32 s18, $0x0;
	s12 =	ssub.s32 s29, s14;
	s13 =	sand.u32 $0xFFFFFC00, s13  }
0x65: {  	v40 =	vbroadcast v1, $0x7;
	v41 =	vbroadcast v0, $0x7;
	p0 =	por !p3, !p4;
	s15 =	sand.u32 $0x70, s14;
	v39 =	vmov s12;
	s13 =	sadd.s32 s6, s13  }
0x66: {  	p0 =	por !p0, !p0;
	vm7 =	veq.s32 v39, v2;
	s13 =	sor.u32 s15, s13;
	s15 =	sshra.s32 s17, $0x1F  }
0x67: {  	s12 =	sadd.s32 $0x70, s4;
	v4 =	vsel vm7, v40, v41;
	s13 =	sshrl.u32 s13, $0x3;
	s19 =	sshrl.u32 s15, $0x1C  }
0x68: {  	s15 =	simm.s32 $0x1;
	[tilespmem:$0x1F0] =	vst v4;
	s13 =	sadd.s32 s13, s12;
	s14 =	sadd.s32 s19, s17  }
0x69: {  	[hbm4b:s13+s3] =	stream.linear.scatter [tilespmem:s16], [sflag:$0x1], $0x10, $0x38;
	[tilespmem:$0x280] =	vst v63  }
0x6a: {  	s15 =	simm.s32 @!p0 $0x0;
	s14 =	sshra.s32 s14, $0x4  }
0x6b: {  	s22 =	simm.s32 $0x200;
	s14 =	ssub.s32 s14, s15  }
0x6c: {  	s6 =	sadd.s32 $0xC3800, s6;
	s15 =	sshll.u32 s14, $0x4;
	s14 =	sshll.u32 s14, $0x7  }
0x6d: {  	s23 =	spop (v2sf);
	s13 =	ssub.s32 s17, s15;
	s14 =	sand.u32 $0xFFFFFC00, s14  }
0x6e: {  	s21 =	sand.u32 $0x70, s15;
	s24 =	sand.u32 $0xF, s23;
	s25 =	sshra.s32 s23, $0x1F  }
0x6f: {  	v43 =	vbroadcast v1, $0x8;
	v44 =	vbroadcast v0, $0x8;
	p5 =	slt.s32 s23, $0x1;
	s31 =	spop (v2sf);
	v42 =	vmov s13;
	s20 =	sadd.s32 s6, s14  }
0x70: {  	(v2sf) =	vpush v3, $0xB;
	p6 =	sne.s32 s24, $0x0;
	s26 =	sshrl.u32 s25, $0x1C;
	vm8 =	veq.s32 v42, v2;
	s13 =	sor.u32 s21, s20  }
0x71: {  	s14 =	simm.s32 $0x1;
	p0 =	por !p5, !p6;
	v4 =	vsel vm8, v43, v44;
	s13 =	sshrl.u32 s13, $0x3  }
0x72: {  	(v2sf) =	vpush v3, $0xC;
	p0 =	por !p0, !p0;
	[tilespmem:$0x200] =	vst v4;
	s4 =	sadd.s32 s4, s13;
	s13 =	sadd.s32 s26, s23  }
0x73: {  	[hbm4b:s4+s3] =	stream.linear.scatter [tilespmem:s22], [sflag:$0x1], $0x10, $0x38;
	[tilespmem:$0x280] =	vst v63  }
0x74: {  	s14 =	simm.s32 @!p0 $0x0;
	s13 =	sshra.s32 s13, $0x4  }
0x75: {  	s30 =	simm.s32 $0x210;
	s13 =	ssub.s32 s13, s14  }
0x76: {  	s15 =	sshra.s32 s31, $0x1F;
	s14 =	sshll.u32 s13, $0x4;
	s13 =	sshll.u32 s13, $0x7  }
0x77: {  	p1 =	slt.s32 s31, $0x1;
	s4 =	ssub.s32 s23, s14;
	s13 =	sand.u32 $0xFFFFFC00, s13  }
0x78: {  	v46 =	vbroadcast v1, $0x9;
	v47 =	vbroadcast v0, $0x9;
	s29 =	sand.u32 $0x70, s14;
	s14 =	sand.u32 $0xF, s31;
	v45 =	vmov s4;
	s28 =	sadd.s32 s6, s13  }
0x79: {  	s16 =	sshrl.u32 s15, $0x1C;
	p2 =	sne.s32 s14, $0x0;
	vm9 =	veq.s32 v45, v2;
	s4 =	sor.u32 s29, s28  }
0x7a: {  	s13 =	simm.s32 $0x1;
	p0 =	por !p1, !p2;
	v4 =	vsel vm9, v46, v47;
	s4 =	sshrl.u32 s4, $0x3  }
0x7b: {  	p0 =	por !p0, !p0;
	[tilespmem:$0x210] =	vst v4;
	s4 =	sadd.s32 s4, s5;
	s5 =	sadd.s32 s16, s31  }
0x7c: {  	[hbm4b:s4+s3] =	stream.linear.scatter [tilespmem:s30], [sflag:$0x1], $0x10, $0x38;
	[tilespmem:$0x280] =	vst v63  }
0x7d: {  	s13 =	simm.s32 @!p0 $0x0;
	s5 =	sshra.s32 s5, $0x4  }
0x7e: {  	s5 =	ssub.s32 s5, s13  }
0x7f: {  	s19 =	simm.s32 $0x220;
	s20 =	spop (v2sf);
	s13 =	sshll.u32 s5, $0x4  }
0x80: {  	s5 =	sshll.u32 s5, $0x7;
	s21 =	sand.u32 $0xF, s20;
	s22 =	sshra.s32 s20, $0x1F  }
0x81: {  	p3 =	slt.s32 s20, $0x1;
	s28 =	spop (v2sf);
	s4 =	ssub.s32 s31, s13  }
0x82: {  	v49 =	vbroadcast v1, $0xA;
	s5 =	sand.u32 $0xFFFFFC00, s5;
	s18 =	sand.u32 $0x70, s13;
	p4 =	sne.s32 s21, $0x0  }
0x83: {  	v50 =	vbroadcast v0, $0xA;
	(v2sf) =	vpush v3, $0xD;
	s23 =	sshrl.u32 s22, $0x1C;
	s29 =	sand.u32 $0xF, s28;
	v48 =	vmov s4;
	s17 =	sadd.s32 s6, s5  }
0x84: {  	s30 =	sshra.s32 s28, $0x1F;
	p5 =	slt.s32 s28, $0x1;
	vm10 =	veq.s32 v48, v2;
	s4 =	sor.u32 s18, s17  }
0x85: {  	p0 =	por !p3, !p4;
	s5 =	sadd.s32 s23, s20;
	v4 =	vsel vm10, v49, v50;
	s4 =	sshrl.u32 s4, $0x3  }
0x86: {  	p0 =	por !p0, !p0;
	[tilespmem:$0x220] =	vst v4;
	s4 =	sadd.s32 s4, s7;
	s7 =	simm.s32 $0x1  }
0x87: {  	[hbm4b:s4+s3] =	stream.linear.scatter [tilespmem:s19], [sflag:$0x1], $0x10, $0x38;
	[tilespmem:$0x280] =	vst v63  }
0x88: {  	p6 =	sne.s32 s29, $0x0;
	s5 =	sshra.s32 s5, $0x4;
	s7 =	simm.s32 @!p0 $0x0  }
0x89: {  	s31 =	sshrl.u32 s30, $0x1C;
	p0 =	por !p5, !p6;
	s5 =	ssub.s32 s5, s7  }
0x8a: {  	p0 =	por !p0, !p0;
	s7 =	sshll.u32 s5, $0x4;
	s5 =	sshll.u32 s5, $0x7  }
0x8b: {  	s4 =	ssub.s32 s20, s7;
	s5 =	sand.u32 $0xFFFFFC00, s5;
	s25 =	sand.u32 $0x70, s7  }
0x8c: {  	v52 =	vbroadcast v1, $0xB;
	v53 =	vbroadcast v0, $0xB;
	s7 =	simm.s32 $0x1;
	v51 =	vmov s4;
	s24 =	sadd.s32 s6, s5;
	s5 =	sadd.s32 s31, s28  }
0x8d: {  	(v2sf) =	vpush v3, $0xE;
	s7 =	simm.s32 @!p0 $0x0;
	vm11 =	veq.s32 v51, v2;
	s4 =	sor.u32 s25, s24;
	s5 =	sshra.s32 s5, $0x4  }
0x8e: {  	s26 =	simm.s32 $0x230;
	v4 =	vsel vm11, v52, v53;
	s4 =	sshrl.u32 s4, $0x3;
	s5 =	ssub.s32 s5, s7  }
0x8f: {  	[tilespmem:$0x230] =	vst v4;
	s4 =	sadd.s32 s4, s8;
	s7 =	sshll.u32 s5, $0x4;
	s5 =	sshll.u32 s5, $0x7  }
0x90: {  	[hbm4b:s4+s3] =	stream.linear.scatter [tilespmem:s26], [sflag:$0x1], $0x10, $0x38;
	[tilespmem:$0x280] =	vst v63  }
0x91: {  	s13 =	simm.s32 $0x240;
	s4 =	ssub.s32 s28, s7;
	s5 =	sand.u32 $0xFFFFFC00, s5  }
0x92: {  	v55 =	vbroadcast v1, $0xC;
	v56 =	vbroadcast v0, $0xC;
	s7 =	sand.u32 $0x70, s7;
	s8 =	spop (v2sf);
	v54 =	vmov s4;
	s5 =	sadd.s32 s6, s5  }
0x93: {  	(v2sf) =	vpush v3, $0xF;
	s14 =	sand.u32 $0xF, s8;
	s15 =	sshra.s32 s8, $0x1F;
	vm12 =	veq.s32 v54, v2;
	s4 =	sor.u32 s7, s5  }
0x94: {  	p1 =	slt.s32 s8, $0x1;
	p2 =	sne.s32 s14, $0x0;
	v4 =	vsel vm12, v55, v56;
	s4 =	sshrl.u32 s4, $0x3  }
0x95: {  	s16 =	sshrl.u32 s15, $0x1C;
	p0 =	por !p1, !p2;
	[tilespmem:$0x240] =	vst v4;
	s4 =	sadd.s32 s4, s9  }
0x96: {  	[hbm4b:s4+s3] =	stream.linear.scatter [tilespmem:s13], [sflag:$0x1], $0x10, $0x38;
	[tilespmem:$0x280] =	vst v63  }
0x97: {  	s7 =	simm.s32 $0x1;
	p0 =	por !p0, !p0;
	s4 =	sadd.s32 s16, s8  }
0x98: {  	s7 =	simm.s32 @!p0 $0x0;
	s4 =	sshra.s32 s4, $0x4  }
0x99: {  	s4 =	ssub.s32 s4, s7  }
0x9a: {  	s7 =	sshll.u32 s4, $0x4;
	s4 =	sshll.u32 s4, $0x7  }
0x9b: {  	s18 =	simm.s32 $0x250;
	s5 =	ssub.s32 s8, s7;
	s4 =	sand.u32 $0xFFFFFC00, s4  }
0x9c: {  	v58 =	vbroadcast v1, $0xD;
	v59 =	vbroadcast v0, $0xD;
	s19 =	spop (v2sf);
	s17 =	sand.u32 $0x70, s7;
	v57 =	vmov s5;
	s4 =	sadd.s32 s6, s4  }
0x9d: {  	s20 =	sand.u32 $0xF, s19;
	s21 =	sshra.s32 s19, $0x1F;
	vm13 =	veq.s32 v57, v2;
	s4 =	sor.u32 s17, s4  }
0x9e: {  	p3 =	slt.s32 s19, $0x1;
	p4 =	sne.s32 s20, $0x0;
	v4 =	vsel vm13, v58, v59;
	s4 =	sshrl.u32 s4, $0x3  }
0x9f: {  	s22 =	sshrl.u32 s21, $0x1C;
	p0 =	por !p3, !p4;
	[tilespmem:$0x250] =	vst v4;
	s4 =	sadd.s32 s4, s10  }
0xa0: {  	[hbm4b:s4+s3] =	stream.linear.scatter [tilespmem:s18], [sflag:$0x1], $0x10, $0x38;
	[tilespmem:$0x280] =	vst v63  }
0xa1: {  	p0 =	por !p0, !p0;
	s5 =	simm.s32 $0x1;
	s4 =	sadd.s32 s22, s19  }
0xa2: {  	s5 =	simm.s32 @!p0 $0x0;
	s4 =	sshra.s32 s4, $0x4;
	s24 =	spop (v2sf)  }
0xa3: {  	s4 =	ssub.s32 s4, s5;
	s25 =	sand.u32 $0xF, s24  }
0xa4: {  	s26 =	sshra.s32 s24, $0x1F;
	p5 =	slt.s32 s24, $0x1;
	s5 =	sshll.u32 s4, $0x4  }
0xa5: {  	s4 =	sshll.u32 s4, $0x7;
	p6 =	sne.s32 s25, $0x0;
	s28 =	sshrl.u32 s26, $0x1C  }
0xa6: {  	s7 =	ssub.s32 s19, s5;
	s4 =	sand.u32 $0xFFFFFC00, s4;
	p0 =	por !p5, !p6  }
0xa7: {  	v61 =	vbroadcast v1, $0xE;
	v62 =	vbroadcast v0, $0xE;
	s5 =	sand.u32 $0x70, s5;
	v60 =	vmov s7;
	s4 =	sadd.s32 s6, s4;
	p0 =	por !p0, !p0  }
0xa8: {  	s7 =	simm.s32 $0x1;
	vm14 =	veq.s32 v60, v2;
	s4 =	sor.u32 s5, s4;
	s5 =	sadd.s32 s28, s24  }
0xa9: {  	s7 =	simm.s32 @!p0 $0x0;
	v3 =	vsel vm14, v61, v62;
	s4 =	sshrl.u32 s4, $0x3;
	s5 =	sshra.s32 s5, $0x4  }
0xaa: {  	s23 =	simm.s32 $0x260;
	[tilespmem:$0x260] =	vst v3;
	s4 =	sadd.s32 s4, s11;
	s5 =	ssub.s32 s5, s7  }
0xab: {  	[hbm4b:s4+s3] =	stream.linear.scatter [tilespmem:s23], [sflag:$0x1], $0x10, $0x38;
	[tilespmem:$0x280] =	vst v63  }
0xac: {  	s7 =	sshll.u32 s5, $0x4;
	s5 =	sshll.u32 s5, $0x7  }
0xad: {  	s4 =	ssub.s32 s24, s7;
	s5 =	sand.u32 $0xFFFFFC00, s5  }
0xae: {  	v1 =	vbroadcast v1, $0xF;
	v0 =	vbroadcast v0, $0xF;
	s30 =	sand.u32 $0x70, s7;
	v63 =	vmov s4;
	s29 =	sadd.s32 s6, s5  }
0xaf: {  	vm15 =	veq.s32 v63, v2;
	s4 =	sor.u32 s30, s29  }
0xb0: {  	v0 =	vsel vm15, v1, v0;
	s4 =	sshrl.u32 s4, $0x3  }
0xb1: {  	s31 =	simm.s32 $0x270;
	[tilespmem:$0x270] =	vst v0;
	s4 =	sadd.s32 s4, s12  }
0xb2: {  	[hbm4b:s4+s3] =	stream.linear.scatter [tilespmem:s31], [sflag:$0x1], $0x10, $0x38;
	[tilespmem:$0x280] =	vst v63  }
0xb3: {  	_ =	swait.ge [sflag:s2], $0x10  }
0xb4: {  	[sflag:s2] =	ssyncset.done $0x0  }
0xb5: {  	[sflag:s2] =	ssyncadd.s32 $0xFFFFFFF0  }
0xb6: {  	_ =	swait.ge [sflag:s2], $0x10  }
0xb7: {  	[sflag:s2] =	ssyncset.done $0x0  }
0xb8: {  	[sflag:s2] =	ssyncadd.s32 $0xFFFFFFF0  }
0xb9: {  	_ =	swait.ge [sflag:s2], $0x10  }
0xba: {  	[sflag:s2] =	ssyncset.done $0x0  }
0xbb: {  	[sflag:s2] =	ssyncadd.s32 $0xFFFFFFF0  }
0xbc: {  	_ =	swait.ge [sflag:s2], $0x10  }
0xbd: {  	[sflag:s2] =	ssyncset.done $0x0  }
0xbe: {  	[sflag:s2] =	ssyncadd.s32 $0xFFFFFFF0  }
0xbf: {  	_ =	swait.ge [sflag:s2], $0x10  }
0xc0: {  	[sflag:s2] =	ssyncset.done $0x0  }
0xc1: {  	[sflag:s2] =	ssyncadd.s32 $0xFFFFFFF0  }
0xc2: {  	_ =	swait.ge [sflag:s2], $0x10  }
0xc3: {  	[sflag:s2] =	ssyncset.done $0x0  }
0xc4: {  	[sflag:s2] =	ssyncadd.s32 $0xFFFFFFF0  }
0xc5: {  	_ =	swait.ge [sflag:s2], $0x10  }
0xc6: {  	[sflag:s2] =	ssyncset.done $0x0  }
0xc7: {  	[sflag:s2] =	ssyncadd.s32 $0xFFFFFFF0  }
0xc8: {  	_ =	swait.ge [sflag:s2], $0x10  }
0xc9: {  	[sflag:s2] =	ssyncset.done $0x0  }
0xca: {  	[sflag:s2] =	ssyncadd.s32 $0xFFFFFFF0  }
0xcb: {  	_ =	swait.ge [sflag:s2], $0x10  }
0xcc: {  	[sflag:s2] =	ssyncset.done $0x0  }
0xcd: {  	[sflag:s2] =	ssyncadd.s32 $0xFFFFFFF0  }
0xce: {  	_ =	swait.ge [sflag:s2], $0x10  }
0xcf: {  	[sflag:s2] =	ssyncset.done $0x0  }
0xd0: {  	[sflag:s2] =	ssyncadd.s32 $0xFFFFFFF0  }
0xd1: {  	_ =	swait.ge [sflag:s2], $0x10  }
0xd2: {  	[sflag:s2] =	ssyncset.done $0x0  }
0xd3: {  	[sflag:s2] =	ssyncadd.s32 $0xFFFFFFF0  }
0xd4: {  	_ =	swait.ge [sflag:s2], $0x10  }
0xd5: {  	[sflag:s2] =	ssyncset.done $0x0  }
0xd6: {  	[sflag:s2] =	ssyncadd.s32 $0xFFFFFFF0  }
0xd7: {  	_ =	swait.ge [sflag:s2], $0x10  }
0xd8: {  	[sflag:s2] =	ssyncset.done $0x0  }
0xd9: {  	[sflag:s2] =	ssyncadd.s32 $0xFFFFFFF0  }
0xda: {  	_ =	swait.ge [sflag:s2], $0x10  }
0xdb: {  	[sflag:s2] =	ssyncset.done $0x0  }
0xdc: {  	[sflag:s2] =	ssyncadd.s32 $0xFFFFFFF0  }
0xdd: {  	_ =	swait.ge [sflag:s2], $0x10  }
0xde: {  	[sflag:s2] =	ssyncset.done $0x0  }
0xdf: {  	[sflag:s2] =	ssyncadd.s32 $0xFFFFFFF0  }
0xe0: {  	_ =	swait.ge [sflag:s2], $0x10  }
0xe1: {  	[sflag:s2] =	ssyncset.done $0x0  }
0xe2: {  	[sflag:s2] =	ssyncadd.s32 $0xFFFFFFF0  }
0xe3: {  	_ =	sfence.sel $0x180000  }
0xe4: {  	[bflag:$0x0] =	sbarrier.arrive $0xFFFF  }
0xe5: {  	p0 =	sne.s32 s1, $0x0;
	_ =	strace $0x90000047  }
0xe6: {  	s0 =	sadd.s32 @!p0 $0x100000, s0;
	[bflag:$0x2] =	sbarrier.arrive $0xFFFF  }
0xe7: {  	[sflag:s0] =	ssyncadd.tile.s32 @!p0 $0x1;
	_ =	shalt  }
.Lfunc_end2:
_tile_overlayer_lowered:
.L_overlay_start_2:
0xe8: {  	(tag) =	ssettag $0x2  }
0xe9: {  	s0 =	rddreg [dreg:$0x0];
	s2 =	stileid.u32  }
0xea: {  	s1 =	rddreg [dreg:$0x1];
	p0 =	sne.s32 s2, $0x0  }
0xeb: {  	s3 =	rddreg [dreg:$0x2];
	[bflag:$0x3] =	sbarrier.arrive $0xFFFF;
	s2 =	simm.s32 @!p0 $0x1C02  }
0xec: {  	[timem:s3], [sflag:s2] =	dma.local @!p0 [hbm:s0], s1  }
0xed: {  	s0 =	simm.s32 @!p0 $0x2  }
0xee: {  	_ =	swait.ge @!p0 [sflag:s0], s1  }
0xef: {  	s1 =	ssub.s32 @!p0 $0x0, s1;
	[sflag:s0] =	ssyncset.done @!p0 $0x0  }
0xf0: {  	[sflag:s0] =	ssyncadd.s32 @!p0 s1  }
0xf1: {  	[bflag:$0x3] =	sbarrier.arrive $0xFFFF  }
0xf2: {  	_ =	shalt  }

</sc_bundles>
